<compile_context>
chip_gen: v7x
topology: tpu7x:2x2x1
jax: 0.10.2.dev20260603
libtpu: 0.0.44.dev20260713+nightly
codegen_flags: <defaults>
</compile_context>

<pallas_src>
import functools

import jax
import jax.numpy as jnp
from jax import lax
from jax.experimental import pallas as pl
from jax.experimental.pallas import tpu as pltpu
from jax.experimental.pallas import tpu_sc as plsc

P = 7
LANES = 16


def _roi_pool_sc(fmap2, meta, n_boxes, C, H, W, n_blk, bpb):
    half_c = C // 2
    n_grp = half_c // LANES
    out_row = half_c * P * P

    mesh = plsc.VectorSubcoreMesh(core_axis_name="c", subcore_axis_name="s")

    @functools.partial(
        pl.kernel,
        out_type=jax.ShapeDtypeStruct((n_boxes, 2, out_row), jnp.float32),
        mesh=mesh,
        scratch_types=[
            pltpu.VMEM((H * W * half_c,), jnp.float32),
            pltpu.VMEM((bpb * 2 * LANES,), jnp.int32),
            pltpu.VMEM((2, out_row), jnp.float32),
            pltpu.SemaphoreType.DMA,
            pltpu.SemaphoreType.DMA,
        ],
    )
    def k(fmap_hbm, meta_hbm, out_hbm, table_v, meta_v, out_v, sem0, sem1):
        half = lax.axis_index("c")
        blk = lax.axis_index("s")
        pltpu.sync_copy(fmap_hbm.at[half], table_v)
        pltpu.sync_copy(meta_hbm.at[blk], meta_v)
        neg = jnp.full((LANES,), -jnp.inf, dtype=jnp.float32)
        zero = jnp.zeros((LANES,), dtype=jnp.float32)
        iota = lax.iota(jnp.int32, LANES)
        rot = (iota + 1) % LANES

        nbox = jnp.minimum(bpb, n_boxes - blk * bpb)

        def box_body(i, carry):
            par = i % 2
            par0 = par == 0
            n = blk * bpb + i
            @pl.when((i >= 2) & par0)
            def _():
                pltpu.make_async_copy(
                    out_v.at[0], out_hbm.at[n, half], sem0
                ).wait()

            @pl.when((i >= 2) & jnp.logical_not(par0))
            def _():
                pltpu.make_async_copy(
                    out_v.at[1], out_hbm.at[n, half], sem1
                ).wait()

            vh = meta_v[pl.ds(i * 2 * LANES, LANES)]
            vw = meta_v[pl.ds(i * 2 * LANES + LANES, LANES)]

            def ph_body(ph, vhc):
                hs = vhc[0]
                he = vhc[P]

                def pw_body(pw, vwc, hs=hs, he=he, ph=ph):
                    ws = vwc[0]
                    we = vwc[P]
                    off0 = (ph * P + pw) * half_c
                    small = ((he - hs) >= 1) & ((he - hs) <= 2) \
                        & ((we - ws) >= 1) & ((we - ws) <= 2)

                    @pl.when(small)
                    def _():
                        r0 = hs * W
                        r1 = (he - 1) * W
                        w1 = we - 1
                        p00 = (r0 + ws) * half_c
                        p01 = (r0 + w1) * half_c
                        p10 = (r1 + ws) * half_c
                        p11 = (r1 + w1) * half_c
                        for g in range(n_grp):
                            o = g * LANES
                            v = jnp.maximum(
                                jnp.maximum(
                                    table_v[pl.ds(p00 + o, LANES)],
                                    table_v[pl.ds(p01 + o, LANES)],
                                ),
                                jnp.maximum(
                                    table_v[pl.ds(p10 + o, LANES)],
                                    table_v[pl.ds(p11 + o, LANES)],
                                ),
                            )
                            out_v[par, pl.ds(off0 + o, LANES)] = v

                    @pl.when(jnp.logical_not(small))
                    def _():
                        def h_body(h, accs):
                            base = h * W

                            def w_body(w, accs):
                                pix = (base + w) * half_c
                                return tuple(
                                    jnp.maximum(
                                        accs[g],
                                        table_v[pl.ds(pix + g * LANES, LANES)],
                                    )
                                    for g in range(n_grp)
                                )

                            return lax.fori_loop(ws, we, w_body, accs)

                        accs = lax.fori_loop(hs, he, h_body, (neg,) * n_grp)
                        valid = (hs < he) & (ws < we)
                        for g in range(n_grp):
                            res = jnp.where(valid, accs[g], zero)
                            out_v[par, pl.ds(off0 + g * LANES, LANES)] = res

                    return vwc.at[rot].get(mode="promise_in_bounds")

                lax.fori_loop(0, P, pw_body, vw)
                return vhc.at[rot].get(mode="promise_in_bounds")

            lax.fori_loop(0, P, ph_body, vh)
            @pl.when(par0)
            def _():
                pltpu.async_copy(out_v.at[0], out_hbm.at[n, half], sem0)

            @pl.when(jnp.logical_not(par0))
            def _():
                pltpu.async_copy(out_v.at[1], out_hbm.at[n, half], sem1)

            return carry

        lax.fori_loop(0, nbox, box_body, 0)
        last = blk * bpb
        pltpu.make_async_copy(
            out_v.at[0], out_hbm.at[last, half], sem0
        ).wait()
        pltpu.make_async_copy(
            out_v.at[1], out_hbm.at[last, half], sem1
        ).wait()

    return k(fmap2, meta)


def kernel(feature, boxes, image_size):
    C, H, W = feature.shape[1], feature.shape[2], feature.shape[3]
    N = boxes.shape[0]
    half_c = C // 2

    ih = image_size[0].astype(jnp.float32)
    iw = image_size[1].astype(jnp.float32)
    scale = jnp.minimum(jnp.float32(H), jnp.float32(W)) / jnp.minimum(ih, iw)

    r = jnp.round(boxes * scale).astype(jnp.int32)
    rsw, rsh, rew, reh = r[:, 0], r[:, 1], r[:, 2], r[:, 3]
    roi_w = jnp.maximum(rew - rsw + 1, 1)[:, None]
    roi_h = jnp.maximum(reh - rsh + 1, 1)[:, None]
    bins = jnp.arange(P)[None, :]
    hs = jnp.clip((bins * roi_h) // P + rsh[:, None], 0, H)
    he = jnp.clip(-((-(bins + 1) * roi_h) // P) + rsh[:, None], 0, H)
    ws = jnp.clip((bins * roi_w) // P + rsw[:, None], 0, W)
    we = jnp.clip(-((-(bins + 1) * roi_w) // P) + rsw[:, None], 0, W)
    pad2 = jnp.zeros((N, LANES - 2 * P), jnp.int32)
    vh = jnp.concatenate([hs, he, pad2], axis=1).astype(jnp.int32)
    vw = jnp.concatenate([ws, we, pad2], axis=1).astype(jnp.int32)
    meta = jnp.stack([vh, vw], axis=1)

    n_blk = 16
    bpb = -(-N // (n_blk * 4)) * 4
    meta = jnp.pad(meta, ((0, n_blk * bpb - N), (0, 0), (0, 0)))
    meta = meta.reshape(n_blk, bpb * 2 * LANES)

    fmap2 = (
        feature[0]
        .transpose(1, 2, 0)
        .reshape(H * W, 2, half_c)
        .transpose(1, 0, 2)
        .reshape(2, H * W * half_c)
    )

    out = _roi_pool_sc(fmap2, meta, N, C, H, W, n_blk, bpb)
    out = out.reshape(N, 2, P * P, half_c).transpose(0, 1, 3, 2)
    return out.reshape(N, C, P, P)

# --- scband reference (transcript-rebuilt; emitter-appended) ---
"""Pipeline reference for scband-ro-ipool-25967372272005 (READ-ONLY COPY).

The authoritative reference and input builder live on the scoring server;
editing this copy changes nothing except your own understanding.
"""

import jax, jax.numpy as jnp
import numpy as np

P = 7  # output_size


def setup_inputs(seed: int = 0) -> dict:
    key = jax.random.key(seed)
    k1, k2 = jax.random.split(key)
    feature = jax.random.normal(k1, (1, 192, 32, 32), dtype=jnp.float32)
    # boxes in normalized [0,1) coords (x1, y1, x2, y2); image_size=(1,1) so
    # spatial_scale = min(32,32)/min(1,1) = 32 maps them onto the feature map.
    boxes = jax.random.uniform(k2, (1000, 4), dtype=jnp.float32)
    image_size = jnp.ones((2,), dtype=jnp.int32)
    return {"feature": feature, "boxes": boxes, "image_size": image_size}


def reference(feature, boxes, image_size):
    # RoIPool.forward: scale = min(feat_h, feat_w) / min(img_h, img_w);
    # batch idx column is all zeros (single image), then torchvision.ops.roi_pool.
    C, H, W = feature.shape[1], feature.shape[2], feature.shape[3]
    ih = image_size[0].astype(jnp.float32)
    iw = image_size[1].astype(jnp.float32)
    scale = jnp.minimum(jnp.float32(H), jnp.float32(W)) / jnp.minimum(ih, iw)
    fmap = feature[0]  # all rois reference batch element 0
    neg = jnp.float32(-jnp.inf)
    hh = jnp.arange(H)
    ww = jnp.arange(W)
    bins = jnp.arange(P)

    def pool_one(box):
        # torchvision roi_pool semantics: round coords, width/height = max(end-start+1, 1)
        rsw = jnp.round(box[0] * scale).astype(jnp.int32)
        rsh = jnp.round(box[1] * scale).astype(jnp.int32)
        rew = jnp.round(box[2] * scale).astype(jnp.int32)
        reh = jnp.round(box[3] * scale).astype(jnp.int32)
        roi_w = jnp.maximum(rew - rsw + 1, 1)
        roi_h = jnp.maximum(reh - rsh + 1, 1)
        hstart = jnp.clip((bins * roi_h) // P + rsh, 0, H)
        hend = jnp.clip(-((-(bins + 1) * roi_h) // P) + rsh, 0, H)  # ceil div
        wstart = jnp.clip((bins * roi_w) // P + rsw, 0, W)
        wend = jnp.clip(-((-(bins + 1) * roi_w) // P) + rsw, 0, W)
        mh = (hh[None, :] >= hstart[:, None]) & (hh[None, :] < hend[:, None])  # [P,H]
        mw = (ww[None, :] >= wstart[:, None]) & (ww[None, :] < wend[:, None])  # [P,W]
        tmp = jnp.max(jnp.where(mh[None, :, :, None], fmap[:, None, :, :], neg), axis=2)  # [C,P,W]
        out = jnp.max(jnp.where(mw[None, None, :, :], tmp[:, :, None, :], neg), axis=3)  # [C,P,P]
        empty = (hend <= hstart)[:, None] | (wend <= wstart)[None, :]
        return jnp.where(empty[None, :, :], jnp.float32(0.0), out)

    rois = jax.lax.map(pool_one, boxes)  # [N, C, P, P]
    return rois

if __name__ == "__main__":
    import jax
    _d = setup_inputs()
    print(jax.jit(kernel)(*tuple(_d.values())))

</pallas_src>

<mosaic_0001>
#map = affine_map<(d0, d1) -> (0, 0)>
#map1 = affine_map<(d0, d1) -> (0, 0, 0)>
module attributes {stable_mosaic.version = 14 : i64} {
  func.func @k(%arg0: i32, %arg1: i32, %arg2: memref<2x98304xf32, #tpu.memory_space<hbm>>, %arg3: memref<16x2048xi32, #tpu.memory_space<hbm>>, %arg4: memref<1000x2x4704xf32, #tpu.memory_space<hbm>>, %arg5: memref<98304xf32, #tpu.memory_space<vmem>>, %arg6: memref<2048xi32, #tpu.memory_space<vmem>>, %arg7: memref<2x4704xf32, #tpu.memory_space<vmem>>, %arg8: memref<!tpu.dma_semaphore, #tpu.memory_space<semaphore_mem>>, %arg9: memref<!tpu.dma_semaphore, #tpu.memory_space<semaphore_mem>>) attributes {dimension_semantics = [#tpu.dimension_semantics<core_parallel>, #tpu.dimension_semantics<subcore_parallel>], iteration_bounds = array<i64: 2, 16>, scalar_prefetch = 0 : i64, scratch_operands = 5 : i64, tpu.core_type = #tpu.core_type<sc_vector_subcore>, window_params = [{transform_indices = #map}, {transform_indices = #map}, {transform_indices = #map1}]} {
    "tpu.region"() ({
      %run_scoped3A = tpu.sem_alloc : memref<!tpu.dma_semaphore, #tpu.memory_space<semaphore_mem>>
      %dma_start3A = arith.constant 0 : i32
      %dma_start3A_59 = tpu.memref_slice %arg2[%arg0, %dma_start3A] : memref<2x98304xf32, #tpu.memory_space<hbm>> -> memref<1x98304xf32, #tpu.memory_space<hbm>>
      %dma_start3A_60 = tpu.memref_squeeze %dma_start3A_59 : memref<1x98304xf32, #tpu.memory_space<hbm>> -> memref<98304xf32, #tpu.memory_space<hbm>>
      %dma_start3A_61 = arith.constant 0 : i32
      %dma_start3A_62 = tpu.memref_slice %arg2[%arg0, %dma_start3A_61] : memref<2x98304xf32, #tpu.memory_space<hbm>> -> memref<1x98304xf32, #tpu.memory_space<hbm>>
      %dma_start3A_63 = tpu.memref_squeeze %dma_start3A_62 : memref<1x98304xf32, #tpu.memory_space<hbm>> -> memref<98304xf32, #tpu.memory_space<hbm>>
      tpu.enqueue_dma source(%dma_start3A_63 : memref<98304xf32, #tpu.memory_space<hbm>>) target(%arg5 : memref<98304xf32, #tpu.memory_space<vmem>>) target_semaphore(%run_scoped3A : memref<!tpu.dma_semaphore, #tpu.memory_space<semaphore_mem>>)
      %dma_wait3A_64 = arith.constant 0 : i32
      %dma_wait3A_65 = tpu.memref_slice %arg2[%arg0, %dma_wait3A_64] : memref<2x98304xf32, #tpu.memory_space<hbm>> -> memref<1x98304xf32, #tpu.memory_space<hbm>>
      %dma_wait3A_66 = tpu.memref_squeeze %dma_wait3A_65 : memref<1x98304xf32, #tpu.memory_space<hbm>> -> memref<98304xf32, #tpu.memory_space<hbm>>
      %dma_wait3A_67 = arith.constant 0 : i32
      %dma_wait3A_68 = tpu.memref_slice %arg2[%arg0, %dma_wait3A_67] : memref<2x98304xf32, #tpu.memory_space<hbm>> -> memref<1x98304xf32, #tpu.memory_space<hbm>>
      %dma_wait3A_69 = tpu.memref_squeeze %dma_wait3A_68 : memref<1x98304xf32, #tpu.memory_space<hbm>> -> memref<98304xf32, #tpu.memory_space<hbm>>
      tpu.wait_dma2 semaphore(%run_scoped3A : memref<!tpu.dma_semaphore, #tpu.memory_space<semaphore_mem>>) src(%dma_wait3A_69 : memref<98304xf32, #tpu.memory_space<hbm>>) dst(%arg5 : memref<98304xf32, #tpu.memory_space<vmem>>)
      tpu.yield
    }) : () -> ()
    "tpu.region"() ({
      %run_scoped3A = tpu.sem_alloc : memref<!tpu.dma_semaphore, #tpu.memory_space<semaphore_mem>>
      %dma_start3A = arith.constant 0 : i32
      %dma_start3A_59 = tpu.memref_slice %arg3[%arg1, %dma_start3A] : memref<16x2048xi32, #tpu.memory_space<hbm>> -> memref<1x2048xi32, #tpu.memory_space<hbm>>
      %dma_start3A_60 = tpu.memref_squeeze %dma_start3A_59 : memref<1x2048xi32, #tpu.memory_space<hbm>> -> memref<2048xi32, #tpu.memory_space<hbm>>
      %dma_start3A_61 = arith.constant 0 : i32
      %dma_start3A_62 = tpu.memref_slice %arg3[%arg1, %dma_start3A_61] : memref<16x2048xi32, #tpu.memory_space<hbm>> -> memref<1x2048xi32, #tpu.memory_space<hbm>>
      %dma_start3A_63 = tpu.memref_squeeze %dma_start3A_62 : memref<1x2048xi32, #tpu.memory_space<hbm>> -> memref<2048xi32, #tpu.memory_space<hbm>>
      tpu.enqueue_dma source(%dma_start3A_63 : memref<2048xi32, #tpu.memory_space<hbm>>) target(%arg6 : memref<2048xi32, #tpu.memory_space<vmem>>) target_semaphore(%run_scoped3A : memref<!tpu.dma_semaphore, #tpu.memory_space<semaphore_mem>>)
      %dma_wait3A_64 = arith.constant 0 : i32
      %dma_wait3A_65 = tpu.memref_slice %arg3[%arg1, %dma_wait3A_64] : memref<16x2048xi32, #tpu.memory_space<hbm>> -> memref<1x2048xi32, #tpu.memory_space<hbm>>
      %dma_wait3A_66 = tpu.memref_squeeze %dma_wait3A_65 : memref<1x2048xi32, #tpu.memory_space<hbm>> -> memref<2048xi32, #tpu.memory_space<hbm>>
      %dma_wait3A_67 = arith.constant 0 : i32
      %dma_wait3A_68 = tpu.memref_slice %arg3[%arg1, %dma_wait3A_67] : memref<16x2048xi32, #tpu.memory_space<hbm>> -> memref<1x2048xi32, #tpu.memory_space<hbm>>
      %dma_wait3A_69 = tpu.memref_squeeze %dma_wait3A_68 : memref<1x2048xi32, #tpu.memory_space<hbm>> -> memref<2048xi32, #tpu.memory_space<hbm>>
      tpu.wait_dma2 semaphore(%run_scoped3A : memref<!tpu.dma_semaphore, #tpu.memory_space<semaphore_mem>>) src(%dma_wait3A_69 : memref<2048xi32, #tpu.memory_space<hbm>>) dst(%arg6 : memref<2048xi32, #tpu.memory_space<vmem>>)
      tpu.yield
    }) : () -> ()
    %broadcast_in_dim3A = arith.constant 0xFF800000 : f32
    %broadcast_in_dim3A_0 = vector.broadcast %broadcast_in_dim3A : f32 to vector<16xf32>
    %broadcast_in_dim3A_1 = arith.constant 0.000000e+00 : f32
    %broadcast_in_dim3A_2 = vector.broadcast %broadcast_in_dim3A_1 : f32 to vector<16xf32>
    %iota3A = tpu.iota {dimensions = array<i32: 0>} : vector<16xi32>
    %add3A = arith.constant 1 : i32
    %add3A_3 = vector.broadcast %add3A : i32 to vector<16xi32>
    %add3A_4 = arith.addi %iota3A, %add3A_3 : vector<16xi32>
    %jit3A = arith.constant 16 : i32
    %eq3A = arith.constant 0 : i32
    %eq3A_5 = arith.cmpi eq, %jit3A, %eq3A : i32
    %jit3A_6 = arith.constant 1 : i32
    %select_n3A = arith.select %eq3A_5, %jit3A_6, %jit3A : i32
    %rem3A = vector.broadcast %select_n3A : i32 to vector<16xi32>
    %rem3A_7 = arith.remsi %add3A_4, %rem3A : vector<16xi32>
    %ne3A = arith.constant 0 : i32
    %ne3A_8 = vector.broadcast %ne3A : i32 to vector<16xi32>
    %ne3A_9 = arith.cmpi ne, %rem3A_7, %ne3A_8 : vector<16xi32>
    %lt3A = arith.constant 0 : i32
    %lt3A_10 = vector.broadcast %lt3A : i32 to vector<16xi32>
    %lt3A_11 = arith.cmpi slt, %rem3A_7, %lt3A_10 : vector<16xi32>
    %lt3A_12 = arith.constant 0 : i32
    %lt3A_13 = arith.cmpi slt, %select_n3A, %lt3A_12 : i32
    %ne3A_14 = vector.broadcast %lt3A_13 : i1 to vector<16xi1>
    %ne3A_15 = vector.broadcast %ne3A_14 : vector<16xi1> to vector<16xi1>
    %ne3A_16 = arith.xori %lt3A_11, %ne3A_15 : vector<16xi1>
    %and3A = arith.andi %ne3A_16, %ne3A_9 : vector<16xi1>
    %add3A_17 = vector.broadcast %select_n3A : i32 to vector<16xi32>
    %add3A_18 = arith.addi %rem3A_7, %add3A_17 : vector<16xi32>
    %select_n3A_19 = arith.select %and3A, %add3A_18, %rem3A_7 : vector<16xi1>, vector<16xi32>
    %mul3A = arith.constant 64 : i32
    %mul3A_20 = arith.muli %arg1, %mul3A : i32
    %sub3A = arith.constant 1000 : i32
    %sub3A_21 = arith.subi %sub3A, %mul3A_20 : i32
    %min3A = arith.constant 64 : i32
    %min3A_22 = arith.minsi %min3A, %sub3A_21 : i32
    %while3A = arith.constant 0 : i32
    %while3A_23 = arith.constant 0 : i32
    %while3A_24 = arith.subi %min3A_22, %while3A_23 : i32
    %while3A_25 = arith.addi %while3A_23, %while3A_24 : i32
    %while3A_26 = arith.constant 1 : i32
    %while3A_27 = arith.divsi %while3A_24, %while3A_26 : i32
    %while3A_28 = arith.muli %while3A_27, %while3A_26 : i32
    %while3A_29 = arith.addi %while3A_23, %while3A_28 : i32
    %while3A_30 = arith.constant 1 : i32
    scf.for %while3A_59 = %while3A_23 to %while3A_29 step %while3A_30  : i32 {
      %jit3A_60 = arith.constant 2 : i32
      %eq3A_61 = arith.constant 0 : i32
      %eq3A_62 = arith.cmpi eq, %jit3A_60, %eq3A_61 : i32
      %jit3A_63 = arith.constant 1 : i32
      %select_n3A_64 = arith.select %eq3A_62, %jit3A_63, %jit3A_60 : i32
      %rem3A_65 = arith.remsi %while3A_59, %select_n3A_64 : i32
      %ne3A_66 = arith.constant 0 : i32
      %ne3A_67 = arith.cmpi ne, %rem3A_65, %ne3A_66 : i32
      %lt3A_68 = arith.constant 0 : i32
      %lt3A_69 = arith.cmpi slt, %rem3A_65, %lt3A_68 : i32
      %lt3A_70 = arith.constant 0 : i32
      %lt3A_71 = arith.cmpi slt, %select_n3A_64, %lt3A_70 : i32
      %ne3A_72 = arith.xori %lt3A_69, %lt3A_71 : i1
      %and3A_73 = arith.andi %ne3A_72, %ne3A_67 : i1
      %add3A_74 = arith.addi %rem3A_65, %select_n3A_64 : i32
      %select_n3A_75 = arith.select %and3A_73, %add3A_74, %rem3A_65 : i32
      %eq3A_76 = arith.constant 0 : i32
      %eq3A_77 = arith.cmpi eq, %select_n3A_75, %eq3A_76 : i32
      %mul3A_78 = arith.constant 64 : i32
      %mul3A_79 = arith.muli %arg1, %mul3A_78 : i32
      %add3A_80 = arith.addi %mul3A_79, %while3A_59 : i32
      %ge3A = arith.constant 2 : i32
      %ge3A_81 = arith.cmpi sge, %while3A_59, %ge3A : i32
      %and3A_82 = arith.andi %ge3A_81, %eq3A_77 : i1
      %convert_element_type3A = arith.extui %and3A_82 : i1 to i32
      %cond3A = arith.constant 0 : i32
      %cond3A_83 = arith.cmpi ne, %convert_element_type3A, %cond3A : i32
      scf.if %cond3A_83 {
        %dma_wait3A_119 = arith.constant 0 : i32
        %dma_wait3A_120 = arith.constant 0 : i32
        %dma_wait3A_121 = tpu.memref_slice %arg7[%dma_wait3A_119, %dma_wait3A_120] : memref<2x4704xf32, #tpu.memory_space<vmem>> -> memref<1x4704xf32, #tpu.memory_space<vmem>>
        %dma_wait3A_122 = tpu.memref_squeeze %dma_wait3A_121 : memref<1x4704xf32, #tpu.memory_space<vmem>> -> memref<4704xf32, #tpu.memory_space<vmem>>
        %dma_wait3A_123 = arith.constant 0 : i32
        %dma_wait3A_124 = tpu.memref_slice %arg4[%add3A_80, %arg0, %dma_wait3A_123] : memref<1000x2x4704xf32, #tpu.memory_space<hbm>> -> memref<1x1x4704xf32, #tpu.memory_space<hbm>>
        %dma_wait3A_125 = tpu.memref_squeeze %dma_wait3A_124 : memref<1x1x4704xf32, #tpu.memory_space<hbm>> -> memref<4704xf32, #tpu.memory_space<hbm>>
        %dma_wait3A_126 = arith.constant 0 : i32
        %dma_wait3A_127 = tpu.memref_slice %arg4[%add3A_80, %arg0, %dma_wait3A_126] : memref<1000x2x4704xf32, #tpu.memory_space<hbm>> -> memref<1x1x4704xf32, #tpu.memory_space<hbm>>
        %dma_wait3A_128 = tpu.memref_squeeze %dma_wait3A_127 : memref<1x1x4704xf32, #tpu.memory_space<hbm>> -> memref<4704xf32, #tpu.memory_space<hbm>>
        %dma_wait3A_129 = arith.constant 0 : i32
        %dma_wait3A_130 = tpu.memref_slice %arg7[%dma_wait3A_119, %dma_wait3A_129] : memref<2x4704xf32, #tpu.memory_space<vmem>> -> memref<1x4704xf32, #tpu.memory_space<vmem>>
        %dma_wait3A_131 = tpu.memref_squeeze %dma_wait3A_130 : memref<1x4704xf32, #tpu.memory_space<vmem>> -> memref<4704xf32, #tpu.memory_space<vmem>>
        tpu.wait_dma2 semaphore(%arg8 : memref<!tpu.dma_semaphore, #tpu.memory_space<semaphore_mem>>) src(%dma_wait3A_131 : memref<4704xf32, #tpu.memory_space<vmem>>) dst(%dma_wait3A_128 : memref<4704xf32, #tpu.memory_space<hbm>>)
      } else {
      }
      %ge3A_84 = arith.constant 2 : i32
      %ge3A_85 = arith.cmpi sge, %while3A_59, %ge3A_84 : i32
      %not3A = arith.constant true
      %not3A_86 = arith.xori %eq3A_77, %not3A : i1
      %and3A_87 = arith.andi %ge3A_85, %not3A_86 : i1
      %convert_element_type3A_88 = arith.extui %and3A_87 : i1 to i32
      %cond3A_89 = arith.constant 0 : i32
      %cond3A_90 = arith.cmpi ne, %convert_element_type3A_88, %cond3A_89 : i32
      scf.if %cond3A_90 {
        %dma_wait3A_119 = arith.constant 1 : i32
        %dma_wait3A_120 = arith.constant 0 : i32
        %dma_wait3A_121 = tpu.memref_slice %arg7[%dma_wait3A_119, %dma_wait3A_120] : memref<2x4704xf32, #tpu.memory_space<vmem>> -> memref<1x4704xf32, #tpu.memory_space<vmem>>
        %dma_wait3A_122 = tpu.memref_squeeze %dma_wait3A_121 : memref<1x4704xf32, #tpu.memory_space<vmem>> -> memref<4704xf32, #tpu.memory_space<vmem>>
        %dma_wait3A_123 = arith.constant 0 : i32
        %dma_wait3A_124 = tpu.memref_slice %arg4[%add3A_80, %arg0, %dma_wait3A_123] : memref<1000x2x4704xf32, #tpu.memory_space<hbm>> -> memref<1x1x4704xf32, #tpu.memory_space<hbm>>
        %dma_wait3A_125 = tpu.memref_squeeze %dma_wait3A_124 : memref<1x1x4704xf32, #tpu.memory_space<hbm>> -> memref<4704xf32, #tpu.memory_space<hbm>>
        %dma_wait3A_126 = arith.constant 0 : i32
        %dma_wait3A_127 = tpu.memref_slice %arg4[%add3A_80, %arg0, %dma_wait3A_126] : memref<1000x2x4704xf32, #tpu.memory_space<hbm>> -> memref<1x1x4704xf32, #tpu.memory_space<hbm>>
        %dma_wait3A_128 = tpu.memref_squeeze %dma_wait3A_127 : memref<1x1x4704xf32, #tpu.memory_space<hbm>> -> memref<4704xf32, #tpu.memory_space<hbm>>
        %dma_wait3A_129 = arith.constant 0 : i32
        %dma_wait3A_130 = tpu.memref_slice %arg7[%dma_wait3A_119, %dma_wait3A_129] : memref<2x4704xf32, #tpu.memory_space<vmem>> -> memref<1x4704xf32, #tpu.memory_space<vmem>>
        %dma_wait3A_131 = tpu.memref_squeeze %dma_wait3A_130 : memref<1x4704xf32, #tpu.memory_space<vmem>> -> memref<4704xf32, #tpu.memory_space<vmem>>
        tpu.wait_dma2 semaphore(%arg9 : memref<!tpu.dma_semaphore, #tpu.memory_space<semaphore_mem>>) src(%dma_wait3A_131 : memref<4704xf32, #tpu.memory_space<vmem>>) dst(%dma_wait3A_128 : memref<4704xf32, #tpu.memory_space<hbm>>)
      } else {
      }
      %mul3A_91 = arith.constant 2 : i32
      %mul3A_92 = arith.muli %while3A_59, %mul3A_91 : i32
      %mul3A_93 = arith.constant 16 : i32
      %mul3A_94 = arith.muli %mul3A_92, %mul3A_93 : i32
      %get3A = arith.index_cast %mul3A_94 : i32 to index
      %get3A_95 = tpu.vector_load %arg6[%get3A] {strides = array<i32>} : memref<2048xi32, #tpu.memory_space<vmem>>, vector<16xi32>,
      %get3A_96 = vector.shape_cast %get3A_95 : vector<16xi32> to vector<16xi32>
      %mul3A_97 = arith.constant 2 : i32
      %mul3A_98 = arith.muli %while3A_59, %mul3A_97 : i32
      %mul3A_99 = arith.constant 16 : i32
      %mul3A_100 = arith.muli %mul3A_98, %mul3A_99 : i32
      %add3A_101 = arith.constant 16 : i32
      %add3A_102 = arith.addi %mul3A_100, %add3A_101 : i32
      %get3A_103 = arith.index_cast %add3A_102 : i32 to index
      %get3A_104 = tpu.vector_load %arg6[%get3A_103] {strides = array<i32>} : memref<2048xi32, #tpu.memory_space<vmem>>, vector<16xi32>,
      %get3A_105 = vector.shape_cast %get3A_104 : vector<16xi32> to vector<16xi32>
      %scan3A = arith.constant 0 : i32
      %scan3A_106 = arith.constant 7 : i32
      %scan3A_107 = arith.addi %scan3A, %scan3A_106 : i32
      %scan3A_108 = arith.constant 1 : i32
      %scan3A_109 = scf.for %scan3A_119 = %scan3A to %scan3A_107 step %scan3A_108 iter_args(%scan3A_120 = %get3A_96) -> (vector<16xi32>)  : i32 {
        %slice3A = vector.extract_strided_slice %scan3A_120 {offsets = [0], sizes = [1], strides = [1]} : vector<16xi32> to vector<1xi32>
        %squeeze3A = vector.extract %slice3A[0] : i32 from vector<1xi32>
        %slice3A_121 = vector.extract_strided_slice %scan3A_120 {offsets = [7], sizes = [1], strides = [1]} : vector<16xi32> to vector<1xi32>
        %squeeze3A_122 = vector.extract %slice3A_121[0] : i32 from vector<1xi32>
        %scan3A_123 = arith.constant 0 : i32
        %scan3A_124 = arith.constant 7 : i32
        %scan3A_125 = arith.addi %scan3A_123, %scan3A_124 : i32
        %scan3A_126 = arith.constant 1 : i32
        %scan3A_127 = scf.for %scan3A_138 = %scan3A_123 to %scan3A_125 step %scan3A_126 iter_args(%scan3A_139 = %get3A_105) -> (vector<16xi32>)  : i32 {
          %slice3A_140 = vector.extract_strided_slice %scan3A_139 {offsets = [0], sizes = [1], strides = [1]} : vector<16xi32> to vector<1xi32>
          %squeeze3A_141 = vector.extract %slice3A_140[0] : i32 from vector<1xi32>
          %slice3A_142 = vector.extract_strided_slice %scan3A_139 {offsets = [7], sizes = [1], strides = [1]} : vector<16xi32> to vector<1xi32>
          %squeeze3A_143 = vector.extract %slice3A_142[0] : i32 from vector<1xi32>
          %mul3A_144 = arith.constant 7 : i32
          %mul3A_145 = arith.muli %scan3A_119, %mul3A_144 : i32
          %add3A_146 = arith.addi %mul3A_145, %scan3A_138 : i32
          %mul3A_147 = arith.constant 96 : i32
          %mul3A_148 = arith.muli %add3A_146, %mul3A_147 : i32
          %sub3A_149 = arith.subi %squeeze3A_122, %squeeze3A : i32
          %ge3A_150 = arith.constant 1 : i32
          %ge3A_151 = arith.cmpi sge, %sub3A_149, %ge3A_150 : i32
          %sub3A_152 = arith.subi %squeeze3A_122, %squeeze3A : i32
          %le3A = arith.constant 2 : i32
          %le3A_153 = arith.cmpi sle, %sub3A_152, %le3A : i32
          %and3A_154 = arith.andi %ge3A_151, %le3A_153 : i1
          %sub3A_155 = arith.subi %squeeze3A_143, %squeeze3A_141 : i32
          %ge3A_156 = arith.constant 1 : i32
          %ge3A_157 = arith.cmpi sge, %sub3A_155, %ge3A_156 : i32
          %and3A_158 = arith.andi %and3A_154, %ge3A_157 : i1
          %sub3A_159 = arith.subi %squeeze3A_143, %squeeze3A_141 : i32
          %le3A_160 = arith.constant 2 : i32
          %le3A_161 = arith.cmpi sle, %sub3A_159, %le3A_160 : i32
          %and3A_162 = arith.andi %and3A_158, %le3A_161 : i1
          %convert_element_type3A_163 = arith.extui %and3A_162 : i1 to i32
          %cond3A_164 = arith.constant 0 : i32
          %cond3A_165 = arith.cmpi ne, %convert_element_type3A_163, %cond3A_164 : i32
          scf.if %cond3A_165 {
            %mul3A_181 = arith.constant 32 : i32
            %mul3A_182 = arith.muli %squeeze3A, %mul3A_181 : i32
            %sub3A_183 = arith.constant 1 : i32
            %sub3A_184 = arith.subi %squeeze3A_122, %sub3A_183 : i32
            %mul3A_185 = arith.constant 32 : i32
            %mul3A_186 = arith.muli %sub3A_184, %mul3A_185 : i32
            %sub3A_187 = arith.constant 1 : i32
            %sub3A_188 = arith.subi %squeeze3A_143, %sub3A_187 : i32
            %add3A_189 = arith.addi %mul3A_182, %squeeze3A_141 : i32
            %mul3A_190 = arith.constant 96 : i32
            %mul3A_191 = arith.muli %add3A_189, %mul3A_190 : i32
            %add3A_192 = arith.addi %mul3A_182, %sub3A_188 : i32
            %mul3A_193 = arith.constant 96 : i32
            %mul3A_194 = arith.muli %add3A_192, %mul3A_193 : i32
            %add3A_195 = arith.addi %mul3A_186, %squeeze3A_141 : i32
            %mul3A_196 = arith.constant 96 : i32
            %mul3A_197 = arith.muli %add3A_195, %mul3A_196 : i32
            %add3A_198 = arith.addi %mul3A_186, %sub3A_188 : i32
            %mul3A_199 = arith.constant 96 : i32
            %mul3A_200 = arith.muli %add3A_198, %mul3A_199 : i32
            %add3A_201 = arith.constant 0 : i32
            %add3A_202 = arith.addi %mul3A_191, %add3A_201 : i32
            %get3A_203 = arith.index_cast %add3A_202 : i32 to index
            %get3A_204 = tpu.vector_load %arg5[%get3A_203] {strides = array<i32>} : memref<98304xf32, #tpu.memory_space<vmem>>, vector<16xf32>,
            %get3A_205 = vector.shape_cast %get3A_204 : vector<16xf32> to vector<16xf32>
            %add3A_206 = arith.constant 0 : i32
            %add3A_207 = arith.addi %mul3A_194, %add3A_206 : i32
            %get3A_208 = arith.index_cast %add3A_207 : i32 to index
            %get3A_209 = tpu.vector_load %arg5[%get3A_208] {strides = array<i32>} : memref<98304xf32, #tpu.memory_space<vmem>>, vector<16xf32>,
            %get3A_210 = vector.shape_cast %get3A_209 : vector<16xf32> to vector<16xf32>
            %max3A = arith.maximumf %get3A_205, %get3A_210 : vector<16xf32>
            %add3A_211 = arith.constant 0 : i32
            %add3A_212 = arith.addi %mul3A_197, %add3A_211 : i32
            %get3A_213 = arith.index_cast %add3A_212 : i32 to index
            %get3A_214 = tpu.vector_load %arg5[%get3A_213] {strides = array<i32>} : memref<98304xf32, #tpu.memory_space<vmem>>, vector<16xf32>,
            %get3A_215 = vector.shape_cast %get3A_214 : vector<16xf32> to vector<16xf32>
            %add3A_216 = arith.constant 0 : i32
            %add3A_217 = arith.addi %mul3A_200, %add3A_216 : i32
            %get3A_218 = arith.index_cast %add3A_217 : i32 to index
            %get3A_219 = tpu.vector_load %arg5[%get3A_218] {strides = array<i32>} : memref<98304xf32, #tpu.memory_space<vmem>>, vector<16xf32>,
            %get3A_220 = vector.shape_cast %get3A_219 : vector<16xf32> to vector<16xf32>
            %max3A_221 = arith.maximumf %get3A_215, %get3A_220 : vector<16xf32>
            %max3A_222 = arith.maximumf %max3A, %max3A_221 : vector<16xf32>
            %add3A_223 = arith.constant 0 : i32
            %add3A_224 = arith.addi %mul3A_148, %add3A_223 : i32
            %swap3A = arith.index_cast %select_n3A_75 : i32 to index
            %swap3A_225 = arith.index_cast %add3A_224 : i32 to index
            %swap3A_226 = tpu.vector_load %arg7[%swap3A, %swap3A_225] {strides = array<i32>} : memref<2x4704xf32, #tpu.memory_space<vmem>>, vector<1x16xf32>,
            %swap3A_227 = vector.shape_cast %swap3A_226 : vector<1x16xf32> to vector<16xf32>
            %swap3A_228 = vector.shape_cast %max3A_222 : vector<16xf32> to vector<1x16xf32>
            tpu.vector_store %arg7[%swap3A, %swap3A_225], %swap3A_228 {strides = array<i32>} : memref<2x4704xf32, #tpu.memory_space<vmem>>, vector<1x16xf32>,
            %add3A_229 = arith.constant 16 : i32
            %add3A_230 = arith.addi %mul3A_191, %add3A_229 : i32
            %get3A_231 = arith.index_cast %add3A_230 : i32 to index
            %get3A_232 = tpu.vector_load %arg5[%get3A_231] {strides = array<i32>} : memref<98304xf32, #tpu.memory_space<vmem>>, vector<16xf32>,
            %get3A_233 = vector.shape_cast %get3A_232 : vector<16xf32> to vector<16xf32>
            %add3A_234 = arith.constant 16 : i32
            %add3A_235 = arith.addi %mul3A_194, %add3A_234 : i32
            %get3A_236 = arith.index_cast %add3A_235 : i32 to index
            %get3A_237 = tpu.vector_load %arg5[%get3A_236] {strides = array<i32>} : memref<98304xf32, #tpu.memory_space<vmem>>, vector<16xf32>,
            %get3A_238 = vector.shape_cast %get3A_237 : vector<16xf32> to vector<16xf32>
            %max3A_239 = arith.maximumf %get3A_233, %get3A_238 : vector<16xf32>
            %add3A_240 = arith.constant 16 : i32
            %add3A_241 = arith.addi %mul3A_197, %add3A_240 : i32
            %get3A_242 = arith.index_cast %add3A_241 : i32 to index
            %get3A_243 = tpu.vector_load %arg5[%get3A_242] {strides = array<i32>} : memref<98304xf32, #tpu.memory_space<vmem>>, vector<16xf32>,
            %get3A_244 = vector.shape_cast %get3A_243 : vector<16xf32> to vector<16xf32>
            %add3A_245 = arith.constant 16 : i32
            %add3A_246 = arith.addi %mul3A_200, %add3A_245 : i32
            %get3A_247 = arith.index_cast %add3A_246 : i32 to index
            %get3A_248 = tpu.vector_load %arg5[%get3A_247] {strides = array<i32>} : memref<98304xf32, #tpu.memory_space<vmem>>, vector<16xf32>,
            %get3A_249 = vector.shape_cast %get3A_248 : vector<16xf32> to vector<16xf32>
            %max3A_250 = arith.maximumf %get3A_244, %get3A_249 : vector<16xf32>
            %max3A_251 = arith.maximumf %max3A_239, %max3A_250 : vector<16xf32>
            %add3A_252 = arith.constant 16 : i32
            %add3A_253 = arith.addi %mul3A_148, %add3A_252 : i32
            %swap3A_254 = arith.index_cast %select_n3A_75 : i32 to index
            %swap3A_255 = arith.index_cast %add3A_253 : i32 to index
            %swap3A_256 = tpu.vector_load %arg7[%swap3A_254, %swap3A_255] {strides = array<i32>} : memref<2x4704xf32, #tpu.memory_space<vmem>>, vector<1x16xf32>,
            %swap3A_257 = vector.shape_cast %swap3A_256 : vector<1x16xf32> to vector<16xf32>
            %swap3A_258 = vector.shape_cast %max3A_251 : vector<16xf32> to vector<1x16xf32>
            tpu.vector_store %arg7[%swap3A_254, %swap3A_255], %swap3A_258 {strides = array<i32>} : memref<2x4704xf32, #tpu.memory_space<vmem>>, vector<1x16xf32>,
            %add3A_259 = arith.constant 32 : i32
            %add3A_260 = arith.addi %mul3A_191, %add3A_259 : i32
            %get3A_261 = arith.index_cast %add3A_260 : i32 to index
            %get3A_262 = tpu.vector_load %arg5[%get3A_261] {strides = array<i32>} : memref<98304xf32, #tpu.memory_space<vmem>>, vector<16xf32>,
            %get3A_263 = vector.shape_cast %get3A_262 : vector<16xf32> to vector<16xf32>
            %add3A_264 = arith.constant 32 : i32
            %add3A_265 = arith.addi %mul3A_194, %add3A_264 : i32
            %get3A_266 = arith.index_cast %add3A_265 : i32 to index
            %get3A_267 = tpu.vector_load %arg5[%get3A_266] {strides = array<i32>} : memref<98304xf32, #tpu.memory_space<vmem>>, vector<16xf32>,
            %get3A_268 = vector.shape_cast %get3A_267 : vector<16xf32> to vector<16xf32>
            %max3A_269 = arith.maximumf %get3A_263, %get3A_268 : vector<16xf32>
            %add3A_270 = arith.constant 32 : i32
            %add3A_271 = arith.addi %mul3A_197, %add3A_270 : i32
            %get3A_272 = arith.index_cast %add3A_271 : i32 to index
            %get3A_273 = tpu.vector_load %arg5[%get3A_272] {strides = array<i32>} : memref<98304xf32, #tpu.memory_space<vmem>>, vector<16xf32>,
            %get3A_274 = vector.shape_cast %get3A_273 : vector<16xf32> to vector<16xf32>
            %add3A_275 = arith.constant 32 : i32
            %add3A_276 = arith.addi %mul3A_200, %add3A_275 : i32
            %get3A_277 = arith.index_cast %add3A_276 : i32 to index
            %get3A_278 = tpu.vector_load %arg5[%get3A_277] {strides = array<i32>} : memref<98304xf32, #tpu.memory_space<vmem>>, vector<16xf32>,
            %get3A_279 = vector.shape_cast %get3A_278 : vector<16xf32> to vector<16xf32>
            %max3A_280 = arith.maximumf %get3A_274, %get3A_279 : vector<16xf32>
            %max3A_281 = arith.maximumf %max3A_269, %max3A_280 : vector<16xf32>
            %add3A_282 = arith.constant 32 : i32
            %add3A_283 = arith.addi %mul3A_148, %add3A_282 : i32
            %swap3A_284 = arith.index_cast %select_n3A_75 : i32 to index
            %swap3A_285 = arith.index_cast %add3A_283 : i32 to index
            %swap3A_286 = tpu.vector_load %arg7[%swap3A_284, %swap3A_285] {strides = array<i32>} : memref<2x4704xf32, #tpu.memory_space<vmem>>, vector<1x16xf32>,
            %swap3A_287 = vector.shape_cast %swap3A_286 : vector<1x16xf32> to vector<16xf32>
            %swap3A_288 = vector.shape_cast %max3A_281 : vector<16xf32> to vector<1x16xf32>
            tpu.vector_store %arg7[%swap3A_284, %swap3A_285], %swap3A_288 {strides = array<i32>} : memref<2x4704xf32, #tpu.memory_space<vmem>>, vector<1x16xf32>,
            %add3A_289 = arith.constant 48 : i32
            %add3A_290 = arith.addi %mul3A_191, %add3A_289 : i32
            %get3A_291 = arith.index_cast %add3A_290 : i32 to index
            %get3A_292 = tpu.vector_load %arg5[%get3A_291] {strides = array<i32>} : memref<98304xf32, #tpu.memory_space<vmem>>, vector<16xf32>,
            %get3A_293 = vector.shape_cast %get3A_292 : vector<16xf32> to vector<16xf32>
            %add3A_294 = arith.constant 48 : i32
            %add3A_295 = arith.addi %mul3A_194, %add3A_294 : i32
            %get3A_296 = arith.index_cast %add3A_295 : i32 to index
            %get3A_297 = tpu.vector_load %arg5[%get3A_296] {strides = array<i32>} : memref<98304xf32, #tpu.memory_space<vmem>>, vector<16xf32>,
            %get3A_298 = vector.shape_cast %get3A_297 : vector<16xf32> to vector<16xf32>
            %max3A_299 = arith.maximumf %get3A_293, %get3A_298 : vector<16xf32>
            %add3A_300 = arith.constant 48 : i32
            %add3A_301 = arith.addi %mul3A_197, %add3A_300 : i32
            %get3A_302 = arith.index_cast %add3A_301 : i32 to index
            %get3A_303 = tpu.vector_load %arg5[%get3A_302] {strides = array<i32>} : memref<98304xf32, #tpu.memory_space<vmem>>, vector<16xf32>,
            %get3A_304 = vector.shape_cast %get3A_303 : vector<16xf32> to vector<16xf32>
            %add3A_305 = arith.constant 48 : i32
            %add3A_306 = arith.addi %mul3A_200, %add3A_305 : i32
            %get3A_307 = arith.index_cast %add3A_306 : i32 to index
            %get3A_308 = tpu.vector_load %arg5[%get3A_307] {strides = array<i32>} : memref<98304xf32, #tpu.memory_space<vmem>>, vector<16xf32>,
            %get3A_309 = vector.shape_cast %get3A_308 : vector<16xf32> to vector<16xf32>
            %max3A_310 = arith.maximumf %get3A_304, %get3A_309 : vector<16xf32>
            %max3A_311 = arith.maximumf %max3A_299, %max3A_310 : vector<16xf32>
            %add3A_312 = arith.constant 48 : i32
            %add3A_313 = arith.addi %mul3A_148, %add3A_312 : i32
            %swap3A_314 = arith.index_cast %select_n3A_75 : i32 to index
            %swap3A_315 = arith.index_cast %add3A_313 : i32 to index
            %swap3A_316 = tpu.vector_load %arg7[%swap3A_314, %swap3A_315] {strides = array<i32>} : memref<2x4704xf32, #tpu.memory_space<vmem>>, vector<1x16xf32>,
            %swap3A_317 = vector.shape_cast %swap3A_316 : vector<1x16xf32> to vector<16xf32>
            %swap3A_318 = vector.shape_cast %max3A_311 : vector<16xf32> to vector<1x16xf32>
            tpu.vector_store %arg7[%swap3A_314, %swap3A_315], %swap3A_318 {strides = array<i32>} : memref<2x4704xf32, #tpu.memory_space<vmem>>, vector<1x16xf32>,
            %add3A_319 = arith.constant 64 : i32
            %add3A_320 = arith.addi %mul3A_191, %add3A_319 : i32
            %get3A_321 = arith.index_cast %add3A_320 : i32 to index
            %get3A_322 = tpu.vector_load %arg5[%get3A_321] {strides = array<i32>} : memref<98304xf32, #tpu.memory_space<vmem>>, vector<16xf32>,
            %get3A_323 = vector.shape_cast %get3A_322 : vector<16xf32> to vector<16xf32>
            %add3A_324 = arith.constant 64 : i32
            %add3A_325 = arith.addi %mul3A_194, %add3A_324 : i32
            %get3A_326 = arith.index_cast %add3A_325 : i32 to index
            %get3A_327 = tpu.vector_load %arg5[%get3A_326] {strides = array<i32>} : memref<98304xf32, #tpu.memory_space<vmem>>, vector<16xf32>,
            %get3A_328 = vector.shape_cast %get3A_327 : vector<16xf32> to vector<16xf32>
            %max3A_329 = arith.maximumf %get3A_323, %get3A_328 : vector<16xf32>
            %add3A_330 = arith.constant 64 : i32
            %add3A_331 = arith.addi %mul3A_197, %add3A_330 : i32
            %get3A_332 = arith.index_cast %add3A_331 : i32 to index
            %get3A_333 = tpu.vector_load %arg5[%get3A_332] {strides = array<i32>} : memref<98304xf32, #tpu.memory_space<vmem>>, vector<16xf32>,
            %get3A_334 = vector.shape_cast %get3A_333 : vector<16xf32> to vector<16xf32>
            %add3A_335 = arith.constant 64 : i32
            %add3A_336 = arith.addi %mul3A_200, %add3A_335 : i32
            %get3A_337 = arith.index_cast %add3A_336 : i32 to index
            %get3A_338 = tpu.vector_load %arg5[%get3A_337] {strides = array<i32>} : memref<98304xf32, #tpu.memory_space<vmem>>, vector<16xf32>,
            %get3A_339 = vector.shape_cast %get3A_338 : vector<16xf32> to vector<16xf32>
            %max3A_340 = arith.maximumf %get3A_334, %get3A_339 : vector<16xf32>
            %max3A_341 = arith.maximumf %max3A_329, %max3A_340 : vector<16xf32>
            %add3A_342 = arith.constant 64 : i32
            %add3A_343 = arith.addi %mul3A_148, %add3A_342 : i32
            %swap3A_344 = arith.index_cast %select_n3A_75 : i32 to index
            %swap3A_345 = arith.index_cast %add3A_343 : i32 to index
            %swap3A_346 = tpu.vector_load %arg7[%swap3A_344, %swap3A_345] {strides = array<i32>} : memref<2x4704xf32, #tpu.memory_space<vmem>>, vector<1x16xf32>,
            %swap3A_347 = vector.shape_cast %swap3A_346 : vector<1x16xf32> to vector<16xf32>
            %swap3A_348 = vector.shape_cast %max3A_341 : vector<16xf32> to vector<1x16xf32>
            tpu.vector_store %arg7[%swap3A_344, %swap3A_345], %swap3A_348 {strides = array<i32>} : memref<2x4704xf32, #tpu.memory_space<vmem>>, vector<1x16xf32>,
            %add3A_349 = arith.constant 80 : i32
            %add3A_350 = arith.addi %mul3A_191, %add3A_349 : i32
            %get3A_351 = arith.index_cast %add3A_350 : i32 to index
            %get3A_352 = tpu.vector_load %arg5[%get3A_351] {strides = array<i32>} : memref<98304xf32, #tpu.memory_space<vmem>>, vector<16xf32>,
            %get3A_353 = vector.shape_cast %get3A_352 : vector<16xf32> to vector<16xf32>
            %add3A_354 = arith.constant 80 : i32
            %add3A_355 = arith.addi %mul3A_194, %add3A_354 : i32
            %get3A_356 = arith.index_cast %add3A_355 : i32 to index
            %get3A_357 = tpu.vector_load %arg5[%get3A_356] {strides = array<i32>} : memref<98304xf32, #tpu.memory_space<vmem>>, vector<16xf32>,
            %get3A_358 = vector.shape_cast %get3A_357 : vector<16xf32> to vector<16xf32>
            %max3A_359 = arith.maximumf %get3A_353, %get3A_358 : vector<16xf32>
            %add3A_360 = arith.constant 80 : i32
            %add3A_361 = arith.addi %mul3A_197, %add3A_360 : i32
            %get3A_362 = arith.index_cast %add3A_361 : i32 to index
            %get3A_363 = tpu.vector_load %arg5[%get3A_362] {strides = array<i32>} : memref<98304xf32, #tpu.memory_space<vmem>>, vector<16xf32>,
            %get3A_364 = vector.shape_cast %get3A_363 : vector<16xf32> to vector<16xf32>
            %add3A_365 = arith.constant 80 : i32
            %add3A_366 = arith.addi %mul3A_200, %add3A_365 : i32
            %get3A_367 = arith.index_cast %add3A_366 : i32 to index
            %get3A_368 = tpu.vector_load %arg5[%get3A_367] {strides = array<i32>} : memref<98304xf32, #tpu.memory_space<vmem>>, vector<16xf32>,
            %get3A_369 = vector.shape_cast %get3A_368 : vector<16xf32> to vector<16xf32>
            %max3A_370 = arith.maximumf %get3A_364, %get3A_369 : vector<16xf32>
            %max3A_371 = arith.maximumf %max3A_359, %max3A_370 : vector<16xf32>
            %add3A_372 = arith.constant 80 : i32
            %add3A_373 = arith.addi %mul3A_148, %add3A_372 : i32
            %swap3A_374 = arith.index_cast %select_n3A_75 : i32 to index
            %swap3A_375 = arith.index_cast %add3A_373 : i32 to index
            %swap3A_376 = tpu.vector_load %arg7[%swap3A_374, %swap3A_375] {strides = array<i32>} : memref<2x4704xf32, #tpu.memory_space<vmem>>, vector<1x16xf32>,
            %swap3A_377 = vector.shape_cast %swap3A_376 : vector<1x16xf32> to vector<16xf32>
            %swap3A_378 = vector.shape_cast %max3A_371 : vector<16xf32> to vector<1x16xf32>
            tpu.vector_store %arg7[%swap3A_374, %swap3A_375], %swap3A_378 {strides = array<i32>} : memref<2x4704xf32, #tpu.memory_space<vmem>>, vector<1x16xf32>,
          } else {
          }
          %not3A_166 = arith.constant true
          %not3A_167 = arith.xori %and3A_162, %not3A_166 : i1
          %convert_element_type3A_168 = arith.extui %not3A_167 : i1 to i32
          %cond3A_169 = arith.constant 0 : i32
          %cond3A_170 = arith.cmpi ne, %convert_element_type3A_168, %cond3A_169 : i32
          scf.if %cond3A_170 {
            %while3A_181 = arith.subi %squeeze3A_122, %squeeze3A : i32
            %while3A_182 = arith.addi %squeeze3A, %while3A_181 : i32
            %while3A_183 = arith.constant 1 : i32
            %while3A_184 = arith.divsi %while3A_181, %while3A_183 : i32
            %while3A_185 = arith.muli %while3A_184, %while3A_183 : i32
            %while3A_186 = arith.addi %squeeze3A, %while3A_185 : i32
            %while3A_187 = arith.constant 1 : i32
            %while3A_188:6 = scf.for %while3A_241 = %squeeze3A to %while3A_186 step %while3A_187 iter_args(%while3A_242 = %broadcast_in_dim3A_0, %while3A_243 = %broadcast_in_dim3A_0, %while3A_244 = %broadcast_in_dim3A_0, %while3A_245 = %broadcast_in_dim3A_0, %while3A_246 = %broadcast_in_dim3A_0, %while3A_247 = %broadcast_in_dim3A_0) -> (vector<16xf32>, vector<16xf32>, vector<16xf32>, vector<16xf32>, vector<16xf32>, vector<16xf32>)  : i32 {
              %mul3A_248 = arith.constant 32 : i32
              %mul3A_249 = arith.muli %while3A_241, %mul3A_248 : i32
              %while3A_250 = arith.subi %squeeze3A_143, %squeeze3A_141 : i32
              %while3A_251 = arith.addi %squeeze3A_141, %while3A_250 : i32
              %while3A_252 = arith.constant 1 : i32
              %while3A_253 = arith.divsi %while3A_250, %while3A_252 : i32
              %while3A_254 = arith.muli %while3A_253, %while3A_252 : i32
              %while3A_255 = arith.addi %squeeze3A_141, %while3A_254 : i32
              %while3A_256 = arith.constant 1 : i32
              %while3A_257:6 = scf.for %while3A_260 = %squeeze3A_141 to %while3A_255 step %while3A_256 iter_args(%while3A_261 = %while3A_242, %while3A_262 = %while3A_243, %while3A_263 = %while3A_244, %while3A_264 = %while3A_245, %while3A_265 = %while3A_246, %while3A_266 = %while3A_247) -> (vector<16xf32>, vector<16xf32>, vector<16xf32>, vector<16xf32>, vector<16xf32>, vector<16xf32>)  : i32 {
                %add3A_267 = arith.addi %mul3A_249, %while3A_260 : i32
                %mul3A_268 = arith.constant 96 : i32
                %mul3A_269 = arith.muli %add3A_267, %mul3A_268 : i32
                %add3A_270 = arith.constant 0 : i32
                %add3A_271 = arith.addi %mul3A_269, %add3A_270 : i32
                %get3A_272 = arith.index_cast %add3A_271 : i32 to index
                %get3A_273 = tpu.vector_load %arg5[%get3A_272] {strides = array<i32>} : memref<98304xf32, #tpu.memory_space<vmem>>, vector<16xf32>,
                %get3A_274 = vector.shape_cast %get3A_273 : vector<16xf32> to vector<16xf32>
                %max3A = arith.maximumf %while3A_261, %get3A_274 : vector<16xf32>
                %add3A_275 = arith.constant 16 : i32
                %add3A_276 = arith.addi %mul3A_269, %add3A_275 : i32
                %get3A_277 = arith.index_cast %add3A_276 : i32 to index
                %get3A_278 = tpu.vector_load %arg5[%get3A_277] {strides = array<i32>} : memref<98304xf32, #tpu.memory_space<vmem>>, vector<16xf32>,
                %get3A_279 = vector.shape_cast %get3A_278 : vector<16xf32> to vector<16xf32>
                %max3A_280 = arith.maximumf %while3A_262, %get3A_279 : vector<16xf32>
                %add3A_281 = arith.constant 32 : i32
                %add3A_282 = arith.addi %mul3A_269, %add3A_281 : i32
                %get3A_283 = arith.index_cast %add3A_282 : i32 to index
                %get3A_284 = tpu.vector_load %arg5[%get3A_283] {strides = array<i32>} : memref<98304xf32, #tpu.memory_space<vmem>>, vector<16xf32>,
                %get3A_285 = vector.shape_cast %get3A_284 : vector<16xf32> to vector<16xf32>
                %max3A_286 = arith.maximumf %while3A_263, %get3A_285 : vector<16xf32>
                %add3A_287 = arith.constant 48 : i32
                %add3A_288 = arith.addi %mul3A_269, %add3A_287 : i32
                %get3A_289 = arith.index_cast %add3A_288 : i32 to index
                %get3A_290 = tpu.vector_load %arg5[%get3A_289] {strides = array<i32>} : memref<98304xf32, #tpu.memory_space<vmem>>, vector<16xf32>,
                %get3A_291 = vector.shape_cast %get3A_290 : vector<16xf32> to vector<16xf32>
                %max3A_292 = arith.maximumf %while3A_264, %get3A_291 : vector<16xf32>
                %add3A_293 = arith.constant 64 : i32
                %add3A_294 = arith.addi %mul3A_269, %add3A_293 : i32
                %get3A_295 = arith.index_cast %add3A_294 : i32 to index
                %get3A_296 = tpu.vector_load %arg5[%get3A_295] {strides = array<i32>} : memref<98304xf32, #tpu.memory_space<vmem>>, vector<16xf32>,
                %get3A_297 = vector.shape_cast %get3A_296 : vector<16xf32> to vector<16xf32>
                %max3A_298 = arith.maximumf %while3A_265, %get3A_297 : vector<16xf32>
                %add3A_299 = arith.constant 80 : i32
                %add3A_300 = arith.addi %mul3A_269, %add3A_299 : i32
                %get3A_301 = arith.index_cast %add3A_300 : i32 to index
                %get3A_302 = tpu.vector_load %arg5[%get3A_301] {strides = array<i32>} : memref<98304xf32, #tpu.memory_space<vmem>>, vector<16xf32>,
                %get3A_303 = vector.shape_cast %get3A_302 : vector<16xf32> to vector<16xf32>
                %max3A_304 = arith.maximumf %while3A_266, %get3A_303 : vector<16xf32>
                scf.yield %max3A, %max3A_280, %max3A_286, %max3A_292, %max3A_298, %max3A_304 : vector<16xf32>, vector<16xf32>, vector<16xf32>, vector<16xf32>, vector<16xf32>, vector<16xf32>
              }
              %while3A_258 = arith.constant 1 : i32
              %while3A_259:6 = scf.for %while3A_260 = %while3A_255 to %while3A_251 step %while3A_258 iter_args(%while3A_261 = %while3A_257#0, %while3A_262 = %while3A_257#1, %while3A_263 = %while3A_257#2, %while3A_264 = %while3A_257#3, %while3A_265 = %while3A_257#4, %while3A_266 = %while3A_257#5) -> (vector<16xf32>, vector<16xf32>, vector<16xf32>, vector<16xf32>, vector<16xf32>, vector<16xf32>)  : i32 {
                %add3A_267 = arith.addi %mul3A_249, %while3A_260 : i32
                %mul3A_268 = arith.constant 96 : i32
                %mul3A_269 = arith.muli %add3A_267, %mul3A_268 : i32
                %add3A_270 = arith.constant 0 : i32
                %add3A_271 = arith.addi %mul3A_269, %add3A_270 : i32
                %get3A_272 = arith.index_cast %add3A_271 : i32 to index
                %get3A_273 = tpu.vector_load %arg5[%get3A_272] {strides = array<i32>} : memref<98304xf32, #tpu.memory_space<vmem>>, vector<16xf32>,
                %get3A_274 = vector.shape_cast %get3A_273 : vector<16xf32> to vector<16xf32>
                %max3A = arith.maximumf %while3A_261, %get3A_274 : vector<16xf32>
                %add3A_275 = arith.constant 16 : i32
                %add3A_276 = arith.addi %mul3A_269, %add3A_275 : i32
                %get3A_277 = arith.index_cast %add3A_276 : i32 to index
                %get3A_278 = tpu.vector_load %arg5[%get3A_277] {strides = array<i32>} : memref<98304xf32, #tpu.memory_space<vmem>>, vector<16xf32>,
                %get3A_279 = vector.shape_cast %get3A_278 : vector<16xf32> to vector<16xf32>
                %max3A_280 = arith.maximumf %while3A_262, %get3A_279 : vector<16xf32>
                %add3A_281 = arith.constant 32 : i32
                %add3A_282 = arith.addi %mul3A_269, %add3A_281 : i32
                %get3A_283 = arith.index_cast %add3A_282 : i32 to index
                %get3A_284 = tpu.vector_load %arg5[%get3A_283] {strides = array<i32>} : memref<98304xf32, #tpu.memory_space<vmem>>, vector<16xf32>,
                %get3A_285 = vector.shape_cast %get3A_284 : vector<16xf32> to vector<16xf32>
                %max3A_286 = arith.maximumf %while3A_263, %get3A_285 : vector<16xf32>
                %add3A_287 = arith.constant 48 : i32
                %add3A_288 = arith.addi %mul3A_269, %add3A_287 : i32
                %get3A_289 = arith.index_cast %add3A_288 : i32 to index
                %get3A_290 = tpu.vector_load %arg5[%get3A_289] {strides = array<i32>} : memref<98304xf32, #tpu.memory_space<vmem>>, vector<16xf32>,
                %get3A_291 = vector.shape_cast %get3A_290 : vector<16xf32> to vector<16xf32>
                %max3A_292 = arith.maximumf %while3A_264, %get3A_291 : vector<16xf32>
                %add3A_293 = arith.constant 64 : i32
                %add3A_294 = arith.addi %mul3A_269, %add3A_293 : i32
                %get3A_295 = arith.index_cast %add3A_294 : i32 to index
                %get3A_296 = tpu.vector_load %arg5[%get3A_295] {strides = array<i32>} : memref<98304xf32, #tpu.memory_space<vmem>>, vector<16xf32>,
                %get3A_297 = vector.shape_cast %get3A_296 : vector<16xf32> to vector<16xf32>
                %max3A_298 = arith.maximumf %while3A_265, %get3A_297 : vector<16xf32>
                %add3A_299 = arith.constant 80 : i32
                %add3A_300 = arith.addi %mul3A_269, %add3A_299 : i32
                %get3A_301 = arith.index_cast %add3A_300 : i32 to index
                %get3A_302 = tpu.vector_load %arg5[%get3A_301] {strides = array<i32>} : memref<98304xf32, #tpu.memory_space<vmem>>, vector<16xf32>,
                %get3A_303 = vector.shape_cast %get3A_302 : vector<16xf32> to vector<16xf32>
                %max3A_304 = arith.maximumf %while3A_266, %get3A_303 : vector<16xf32>
                scf.yield %max3A, %max3A_280, %max3A_286, %max3A_292, %max3A_298, %max3A_304 : vector<16xf32>, vector<16xf32>, vector<16xf32>, vector<16xf32>, vector<16xf32>, vector<16xf32>
              }
              scf.yield %while3A_259#0, %while3A_259#1, %while3A_259#2, %while3A_259#3, %while3A_259#4, %while3A_259#5 : vector<16xf32>, vector<16xf32>, vector<16xf32>, vector<16xf32>, vector<16xf32>, vector<16xf32>
            }
            %while3A_189 = arith.constant 1 : i32
            %while3A_190:6 = scf.for %while3A_241 = %while3A_186 to %while3A_182 step %while3A_189 iter_args(%while3A_242 = %while3A_188#0, %while3A_243 = %while3A_188#1, %while3A_244 = %while3A_188#2, %while3A_245 = %while3A_188#3, %while3A_246 = %while3A_188#4, %while3A_247 = %while3A_188#5) -> (vector<16xf32>, vector<16xf32>, vector<16xf32>, vector<16xf32>, vector<16xf32>, vector<16xf32>)  : i32 {
              %mul3A_248 = arith.constant 32 : i32
              %mul3A_249 = arith.muli %while3A_241, %mul3A_248 : i32
              %while3A_250 = arith.subi %squeeze3A_143, %squeeze3A_141 : i32
              %while3A_251 = arith.addi %squeeze3A_141, %while3A_250 : i32
              %while3A_252 = arith.constant 1 : i32
              %while3A_253 = arith.divsi %while3A_250, %while3A_252 : i32
              %while3A_254 = arith.muli %while3A_253, %while3A_252 : i32
              %while3A_255 = arith.addi %squeeze3A_141, %while3A_254 : i32
              %while3A_256 = arith.constant 1 : i32
              %while3A_257:6 = scf.for %while3A_260 = %squeeze3A_141 to %while3A_255 step %while3A_256 iter_args(%while3A_261 = %while3A_242, %while3A_262 = %while3A_243, %while3A_263 = %while3A_244, %while3A_264 = %while3A_245, %while3A_265 = %while3A_246, %while3A_266 = %while3A_247) -> (vector<16xf32>, vector<16xf32>, vector<16xf32>, vector<16xf32>, vector<16xf32>, vector<16xf32>)  : i32 {
                %add3A_267 = arith.addi %mul3A_249, %while3A_260 : i32
                %mul3A_268 = arith.constant 96 : i32
                %mul3A_269 = arith.muli %add3A_267, %mul3A_268 : i32
                %add3A_270 = arith.constant 0 : i32
                %add3A_271 = arith.addi %mul3A_269, %add3A_270 : i32
                %get3A_272 = arith.index_cast %add3A_271 : i32 to index
                %get3A_273 = tpu.vector_load %arg5[%get3A_272] {strides = array<i32>} : memref<98304xf32, #tpu.memory_space<vmem>>, vector<16xf32>,
                %get3A_274 = vector.shape_cast %get3A_273 : vector<16xf32> to vector<16xf32>
                %max3A = arith.maximumf %while3A_261, %get3A_274 : vector<16xf32>
                %add3A_275 = arith.constant 16 : i32
                %add3A_276 = arith.addi %mul3A_269, %add3A_275 : i32
                %get3A_277 = arith.index_cast %add3A_276 : i32 to index
                %get3A_278 = tpu.vector_load %arg5[%get3A_277] {strides = array<i32>} : memref<98304xf32, #tpu.memory_space<vmem>>, vector<16xf32>,
                %get3A_279 = vector.shape_cast %get3A_278 : vector<16xf32> to vector<16xf32>
                %max3A_280 = arith.maximumf %while3A_262, %get3A_279 : vector<16xf32>
                %add3A_281 = arith.constant 32 : i32
                %add3A_282 = arith.addi %mul3A_269, %add3A_281 : i32
                %get3A_283 = arith.index_cast %add3A_282 : i32 to index
                %get3A_284 = tpu.vector_load %arg5[%get3A_283] {strides = array<i32>} : memref<98304xf32, #tpu.memory_space<vmem>>, vector<16xf32>,
                %get3A_285 = vector.shape_cast %get3A_284 : vector<16xf32> to vector<16xf32>
                %max3A_286 = arith.maximumf %while3A_263, %get3A_285 : vector<16xf32>
                %add3A_287 = arith.constant 48 : i32
                %add3A_288 = arith.addi %mul3A_269, %add3A_287 : i32
                %get3A_289 = arith.index_cast %add3A_288 : i32 to index
                %get3A_290 = tpu.vector_load %arg5[%get3A_289] {strides = array<i32>} : memref<98304xf32, #tpu.memory_space<vmem>>, vector<16xf32>,
                %get3A_291 = vector.shape_cast %get3A_290 : vector<16xf32> to vector<16xf32>
                %max3A_292 = arith.maximumf %while3A_264, %get3A_291 : vector<16xf32>
                %add3A_293 = arith.constant 64 : i32
                %add3A_294 = arith.addi %mul3A_269, %add3A_293 : i32
                %get3A_295 = arith.index_cast %add3A_294 : i32 to index
                %get3A_296 = tpu.vector_load %arg5[%get3A_295] {strides = array<i32>} : memref<98304xf32, #tpu.memory_space<vmem>>, vector<16xf32>,
                %get3A_297 = vector.shape_cast %get3A_296 : vector<16xf32> to vector<16xf32>
                %max3A_298 = arith.maximumf %while3A_265, %get3A_297 : vector<16xf32>
                %add3A_299 = arith.constant 80 : i32
                %add3A_300 = arith.addi %mul3A_269, %add3A_299 : i32
                %get3A_301 = arith.index_cast %add3A_300 : i32 to index
                %get3A_302 = tpu.vector_load %arg5[%get3A_301] {strides = array<i32>} : memref<98304xf32, #tpu.memory_space<vmem>>, vector<16xf32>,
                %get3A_303 = vector.shape_cast %get3A_302 : vector<16xf32> to vector<16xf32>
                %max3A_304 = arith.maximumf %while3A_266, %get3A_303 : vector<16xf32>
                scf.yield %max3A, %max3A_280, %max3A_286, %max3A_292, %max3A_298, %max3A_304 : vector<16xf32>, vector<16xf32>, vector<16xf32>, vector<16xf32>, vector<16xf32>, vector<16xf32>
              }
              %while3A_258 = arith.constant 1 : i32
              %while3A_259:6 = scf.for %while3A_260 = %while3A_255 to %while3A_251 step %while3A_258 iter_args(%while3A_261 = %while3A_257#0, %while3A_262 = %while3A_257#1, %while3A_263 = %while3A_257#2, %while3A_264 = %while3A_257#3, %while3A_265 = %while3A_257#4, %while3A_266 = %while3A_257#5) -> (vector<16xf32>, vector<16xf32>, vector<16xf32>, vector<16xf32>, vector<16xf32>, vector<16xf32>)  : i32 {
                %add3A_267 = arith.addi %mul3A_249, %while3A_260 : i32
                %mul3A_268 = arith.constant 96 : i32
                %mul3A_269 = arith.muli %add3A_267, %mul3A_268 : i32
                %add3A_270 = arith.constant 0 : i32
                %add3A_271 = arith.addi %mul3A_269, %add3A_270 : i32
                %get3A_272 = arith.index_cast %add3A_271 : i32 to index
                %get3A_273 = tpu.vector_load %arg5[%get3A_272] {strides = array<i32>} : memref<98304xf32, #tpu.memory_space<vmem>>, vector<16xf32>,
                %get3A_274 = vector.shape_cast %get3A_273 : vector<16xf32> to vector<16xf32>
                %max3A = arith.maximumf %while3A_261, %get3A_274 : vector<16xf32>
                %add3A_275 = arith.constant 16 : i32
                %add3A_276 = arith.addi %mul3A_269, %add3A_275 : i32
                %get3A_277 = arith.index_cast %add3A_276 : i32 to index
                %get3A_278 = tpu.vector_load %arg5[%get3A_277] {strides = array<i32>} : memref<98304xf32, #tpu.memory_space<vmem>>, vector<16xf32>,
                %get3A_279 = vector.shape_cast %get3A_278 : vector<16xf32> to vector<16xf32>
                %max3A_280 = arith.maximumf %while3A_262, %get3A_279 : vector<16xf32>
                %add3A_281 = arith.constant 32 : i32
                %add3A_282 = arith.addi %mul3A_269, %add3A_281 : i32
                %get3A_283 = arith.index_cast %add3A_282 : i32 to index
                %get3A_284 = tpu.vector_load %arg5[%get3A_283] {strides = array<i32>} : memref<98304xf32, #tpu.memory_space<vmem>>, vector<16xf32>,
                %get3A_285 = vector.shape_cast %get3A_284 : vector<16xf32> to vector<16xf32>
                %max3A_286 = arith.maximumf %while3A_263, %get3A_285 : vector<16xf32>
                %add3A_287 = arith.constant 48 : i32
                %add3A_288 = arith.addi %mul3A_269, %add3A_287 : i32
                %get3A_289 = arith.index_cast %add3A_288 : i32 to index
                %get3A_290 = tpu.vector_load %arg5[%get3A_289] {strides = array<i32>} : memref<98304xf32, #tpu.memory_space<vmem>>, vector<16xf32>,
                %get3A_291 = vector.shape_cast %get3A_290 : vector<16xf32> to vector<16xf32>
                %max3A_292 = arith.maximumf %while3A_264, %get3A_291 : vector<16xf32>
                %add3A_293 = arith.constant 64 : i32
                %add3A_294 = arith.addi %mul3A_269, %add3A_293 : i32
                %get3A_295 = arith.index_cast %add3A_294 : i32 to index
                %get3A_296 = tpu.vector_load %arg5[%get3A_295] {strides = array<i32>} : memref<98304xf32, #tpu.memory_space<vmem>>, vector<16xf32>,
                %get3A_297 = vector.shape_cast %get3A_296 : vector<16xf32> to vector<16xf32>
                %max3A_298 = arith.maximumf %while3A_265, %get3A_297 : vector<16xf32>
                %add3A_299 = arith.constant 80 : i32
                %add3A_300 = arith.addi %mul3A_269, %add3A_299 : i32
                %get3A_301 = arith.index_cast %add3A_300 : i32 to index
                %get3A_302 = tpu.vector_load %arg5[%get3A_301] {strides = array<i32>} : memref<98304xf32, #tpu.memory_space<vmem>>, vector<16xf32>,
                %get3A_303 = vector.shape_cast %get3A_302 : vector<16xf32> to vector<16xf32>
                %max3A_304 = arith.maximumf %while3A_266, %get3A_303 : vector<16xf32>
                scf.yield %max3A, %max3A_280, %max3A_286, %max3A_292, %max3A_298, %max3A_304 : vector<16xf32>, vector<16xf32>, vector<16xf32>, vector<16xf32>, vector<16xf32>, vector<16xf32>
              }
              scf.yield %while3A_259#0, %while3A_259#1, %while3A_259#2, %while3A_259#3, %while3A_259#4, %while3A_259#5 : vector<16xf32>, vector<16xf32>, vector<16xf32>, vector<16xf32>, vector<16xf32>, vector<16xf32>
            }
            %lt3A_191 = arith.cmpi slt, %squeeze3A, %squeeze3A_122 : i32
            %lt3A_192 = arith.cmpi slt, %squeeze3A_141, %squeeze3A_143 : i32
            %and3A_193 = arith.andi %lt3A_191, %lt3A_192 : i1
            %select_n3A_194 = arith.select %and3A_193, %while3A_190#0, %broadcast_in_dim3A_2 : vector<16xf32>
            %add3A_195 = arith.constant 0 : i32
            %add3A_196 = arith.addi %mul3A_148, %add3A_195 : i32
            %swap3A = arith.index_cast %select_n3A_75 : i32 to index
            %swap3A_197 = arith.index_cast %add3A_196 : i32 to index
            %swap3A_198 = tpu.vector_load %arg7[%swap3A, %swap3A_197] {strides = array<i32>} : memref<2x4704xf32, #tpu.memory_space<vmem>>, vector<1x16xf32>,
            %swap3A_199 = vector.shape_cast %swap3A_198 : vector<1x16xf32> to vector<16xf32>
            %swap3A_200 = vector.shape_cast %select_n3A_194 : vector<16xf32> to vector<1x16xf32>
            tpu.vector_store %arg7[%swap3A, %swap3A_197], %swap3A_200 {strides = array<i32>} : memref<2x4704xf32, #tpu.memory_space<vmem>>, vector<1x16xf32>,
            %select_n3A_201 = arith.select %and3A_193, %while3A_190#1, %broadcast_in_dim3A_2 : vector<16xf32>
            %add3A_202 = arith.constant 16 : i32
            %add3A_203 = arith.addi %mul3A_148, %add3A_202 : i32
            %swap3A_204 = arith.index_cast %select_n3A_75 : i32 to index
            %swap3A_205 = arith.index_cast %add3A_203 : i32 to index
            %swap3A_206 = tpu.vector_load %arg7[%swap3A_204, %swap3A_205] {strides = array<i32>} : memref<2x4704xf32, #tpu.memory_space<vmem>>, vector<1x16xf32>,
            %swap3A_207 = vector.shape_cast %swap3A_206 : vector<1x16xf32> to vector<16xf32>
            %swap3A_208 = vector.shape_cast %select_n3A_201 : vector<16xf32> to vector<1x16xf32>
            tpu.vector_store %arg7[%swap3A_204, %swap3A_205], %swap3A_208 {strides = array<i32>} : memref<2x4704xf32, #tpu.memory_space<vmem>>, vector<1x16xf32>,
            %select_n3A_209 = arith.select %and3A_193, %while3A_190#2, %broadcast_in_dim3A_2 : vector<16xf32>
            %add3A_210 = arith.constant 32 : i32
            %add3A_211 = arith.addi %mul3A_148, %add3A_210 : i32
            %swap3A_212 = arith.index_cast %select_n3A_75 : i32 to index
            %swap3A_213 = arith.index_cast %add3A_211 : i32 to index
            %swap3A_214 = tpu.vector_load %arg7[%swap3A_212, %swap3A_213] {strides = array<i32>} : memref<2x4704xf32, #tpu.memory_space<vmem>>, vector<1x16xf32>,
            %swap3A_215 = vector.shape_cast %swap3A_214 : vector<1x16xf32> to vector<16xf32>
            %swap3A_216 = vector.shape_cast %select_n3A_209 : vector<16xf32> to vector<1x16xf32>
            tpu.vector_store %arg7[%swap3A_212, %swap3A_213], %swap3A_216 {strides = array<i32>} : memref<2x4704xf32, #tpu.memory_space<vmem>>, vector<1x16xf32>,
            %select_n3A_217 = arith.select %and3A_193, %while3A_190#3, %broadcast_in_dim3A_2 : vector<16xf32>
            %add3A_218 = arith.constant 48 : i32
            %add3A_219 = arith.addi %mul3A_148, %add3A_218 : i32
            %swap3A_220 = arith.index_cast %select_n3A_75 : i32 to index
            %swap3A_221 = arith.index_cast %add3A_219 : i32 to index
            %swap3A_222 = tpu.vector_load %arg7[%swap3A_220, %swap3A_221] {strides = array<i32>} : memref<2x4704xf32, #tpu.memory_space<vmem>>, vector<1x16xf32>,
            %swap3A_223 = vector.shape_cast %swap3A_222 : vector<1x16xf32> to vector<16xf32>
            %swap3A_224 = vector.shape_cast %select_n3A_217 : vector<16xf32> to vector<1x16xf32>
            tpu.vector_store %arg7[%swap3A_220, %swap3A_221], %swap3A_224 {strides = array<i32>} : memref<2x4704xf32, #tpu.memory_space<vmem>>, vector<1x16xf32>,
            %select_n3A_225 = arith.select %and3A_193, %while3A_190#4, %broadcast_in_dim3A_2 : vector<16xf32>
            %add3A_226 = arith.constant 64 : i32
            %add3A_227 = arith.addi %mul3A_148, %add3A_226 : i32
            %swap3A_228 = arith.index_cast %select_n3A_75 : i32 to index
            %swap3A_229 = arith.index_cast %add3A_227 : i32 to index
            %swap3A_230 = tpu.vector_load %arg7[%swap3A_228, %swap3A_229] {strides = array<i32>} : memref<2x4704xf32, #tpu.memory_space<vmem>>, vector<1x16xf32>,
            %swap3A_231 = vector.shape_cast %swap3A_230 : vector<1x16xf32> to vector<16xf32>
            %swap3A_232 = vector.shape_cast %select_n3A_225 : vector<16xf32> to vector<1x16xf32>
            tpu.vector_store %arg7[%swap3A_228, %swap3A_229], %swap3A_232 {strides = array<i32>} : memref<2x4704xf32, #tpu.memory_space<vmem>>, vector<1x16xf32>,
            %select_n3A_233 = arith.select %and3A_193, %while3A_190#5, %broadcast_in_dim3A_2 : vector<16xf32>
            %add3A_234 = arith.constant 80 : i32
            %add3A_235 = arith.addi %mul3A_148, %add3A_234 : i32
            %swap3A_236 = arith.index_cast %select_n3A_75 : i32 to index
            %swap3A_237 = arith.index_cast %add3A_235 : i32 to index
            %swap3A_238 = tpu.vector_load %arg7[%swap3A_236, %swap3A_237] {strides = array<i32>} : memref<2x4704xf32, #tpu.memory_space<vmem>>, vector<1x16xf32>,
            %swap3A_239 = vector.shape_cast %swap3A_238 : vector<1x16xf32> to vector<16xf32>
            %swap3A_240 = vector.shape_cast %select_n3A_233 : vector<16xf32> to vector<1x16xf32>
            tpu.vector_store %arg7[%swap3A_236, %swap3A_237], %swap3A_240 {strides = array<i32>} : memref<2x4704xf32, #tpu.memory_space<vmem>>, vector<1x16xf32>,
          } else {
          }
          %lt3A_171 = arith.constant 0 : i32
          %lt3A_172 = vector.broadcast %lt3A_171 : i32 to vector<16xi32>
          %lt3A_173 = arith.cmpi slt, %select_n3A_19, %lt3A_172 : vector<16xi32>
          %add3A_174 = arith.constant 16 : i32
          %add3A_175 = vector.broadcast %add3A_174 : i32 to vector<16xi32>
          %add3A_176 = arith.addi %select_n3A_19, %add3A_175 : vector<16xi32>
          %select_n3A_177 = arith.select %lt3A_173, %add3A_176, %select_n3A_19 : vector<16xi1>, vector<16xi32>
          %broadcast_in_dim3A_178 = vector.shape_cast %select_n3A_177 : vector<16xi32> to vector<16x1xi32>
          %gather3A_179 = vector.shape_cast %broadcast_in_dim3A_178 : vector<16x1xi32> to vector<16xi32>
          %gather3A_180 = tpu.dynamic_gather %scan3A_139[%gather3A_179] in [0] : vector<16xi32>, vector<16xi32> -> vector<16xi32>
          scf.yield %gather3A_180 : vector<16xi32>
        }
        %scan3A_128 = arith.constant 7 : i32
        %lt3A_129 = arith.constant 0 : i32
        %lt3A_130 = vector.broadcast %lt3A_129 : i32 to vector<16xi32>
        %lt3A_131 = arith.cmpi slt, %select_n3A_19, %lt3A_130 : vector<16xi32>
        %add3A_132 = arith.constant 16 : i32
        %add3A_133 = vector.broadcast %add3A_132 : i32 to vector<16xi32>
        %add3A_134 = arith.addi %select_n3A_19, %add3A_133 : vector<16xi32>
        %select_n3A_135 = arith.select %lt3A_131, %add3A_134, %select_n3A_19 : vector<16xi1>, vector<16xi32>
        %broadcast_in_dim3A_136 = vector.shape_cast %select_n3A_135 : vector<16xi32> to vector<16x1xi32>
        %gather3A = vector.shape_cast %broadcast_in_dim3A_136 : vector<16x1xi32> to vector<16xi32>
        %gather3A_137 = tpu.dynamic_gather %scan3A_120[%gather3A] in [0] : vector<16xi32>, vector<16xi32> -> vector<16xi32>
        scf.yield %gather3A_137 : vector<16xi32>
      }
      %scan3A_110 = arith.constant 7 : i32
      %convert_element_type3A_111 = arith.extui %eq3A_77 : i1 to i32
      %cond3A_112 = arith.constant 0 : i32
      %cond3A_113 = arith.cmpi ne, %convert_element_type3A_111, %cond3A_112 : i32
      scf.if %cond3A_113 {
        %dma_start3A = arith.constant 0 : i32
        %dma_start3A_119 = arith.constant 0 : i32
        %dma_start3A_120 = tpu.memref_slice %arg7[%dma_start3A, %dma_start3A_119] : memref<2x4704xf32, #tpu.memory_space<vmem>> -> memref<1x4704xf32, #tpu.memory_space<vmem>>
        %dma_start3A_121 = tpu.memref_squeeze %dma_start3A_120 : memref<1x4704xf32, #tpu.memory_space<vmem>> -> memref<4704xf32, #tpu.memory_space<vmem>>
        %dma_start3A_122 = arith.constant 0 : i32
        %dma_start3A_123 = tpu.memref_slice %arg4[%add3A_80, %arg0, %dma_start3A_122] : memref<1000x2x4704xf32, #tpu.memory_space<hbm>> -> memref<1x1x4704xf32, #tpu.memory_space<hbm>>
        %dma_start3A_124 = tpu.memref_squeeze %dma_start3A_123 : memref<1x1x4704xf32, #tpu.memory_space<hbm>> -> memref<4704xf32, #tpu.memory_space<hbm>>
        %dma_start3A_125 = arith.constant 0 : i32
        %dma_start3A_126 = tpu.memref_slice %arg4[%add3A_80, %arg0, %dma_start3A_125] : memref<1000x2x4704xf32, #tpu.memory_space<hbm>> -> memref<1x1x4704xf32, #tpu.memory_space<hbm>>
        %dma_start3A_127 = tpu.memref_squeeze %dma_start3A_126 : memref<1x1x4704xf32, #tpu.memory_space<hbm>> -> memref<4704xf32, #tpu.memory_space<hbm>>
        %dma_start3A_128 = arith.constant 0 : i32
        %dma_start3A_129 = tpu.memref_slice %arg7[%dma_start3A, %dma_start3A_128] : memref<2x4704xf32, #tpu.memory_space<vmem>> -> memref<1x4704xf32, #tpu.memory_space<vmem>>
        %dma_start3A_130 = tpu.memref_squeeze %dma_start3A_129 : memref<1x4704xf32, #tpu.memory_space<vmem>> -> memref<4704xf32, #tpu.memory_space<vmem>>
        tpu.enqueue_dma source(%dma_start3A_130 : memref<4704xf32, #tpu.memory_space<vmem>>) target(%dma_start3A_127 : memref<4704xf32, #tpu.memory_space<hbm>>) target_semaphore(%arg8 : memref<!tpu.dma_semaphore, #tpu.memory_space<semaphore_mem>>)
      } else {
      }
      %not3A_114 = arith.constant true
      %not3A_115 = arith.xori %eq3A_77, %not3A_114 : i1
      %convert_element_type3A_116 = arith.extui %not3A_115 : i1 to i32
      %cond3A_117 = arith.constant 0 : i32
      %cond3A_118 = arith.cmpi ne, %convert_element_type3A_116, %cond3A_117 : i32
      scf.if %cond3A_118 {
        %dma_start3A = arith.constant 1 : i32
        %dma_start3A_119 = arith.constant 0 : i32
        %dma_start3A_120 = tpu.memref_slice %arg7[%dma_start3A, %dma_start3A_119] : memref<2x4704xf32, #tpu.memory_space<vmem>> -> memref<1x4704xf32, #tpu.memory_space<vmem>>
        %dma_start3A_121 = tpu.memref_squeeze %dma_start3A_120 : memref<1x4704xf32, #tpu.memory_space<vmem>> -> memref<4704xf32, #tpu.memory_space<vmem>>
        %dma_start3A_122 = arith.constant 0 : i32
        %dma_start3A_123 = tpu.memref_slice %arg4[%add3A_80, %arg0, %dma_start3A_122] : memref<1000x2x4704xf32, #tpu.memory_space<hbm>> -> memref<1x1x4704xf32, #tpu.memory_space<hbm>>
        %dma_start3A_124 = tpu.memref_squeeze %dma_start3A_123 : memref<1x1x4704xf32, #tpu.memory_space<hbm>> -> memref<4704xf32, #tpu.memory_space<hbm>>
        %dma_start3A_125 = arith.constant 0 : i32
        %dma_start3A_126 = tpu.memref_slice %arg4[%add3A_80, %arg0, %dma_start3A_125] : memref<1000x2x4704xf32, #tpu.memory_space<hbm>> -> memref<1x1x4704xf32, #tpu.memory_space<hbm>>
        %dma_start3A_127 = tpu.memref_squeeze %dma_start3A_126 : memref<1x1x4704xf32, #tpu.memory_space<hbm>> -> memref<4704xf32, #tpu.memory_space<hbm>>
        %dma_start3A_128 = arith.constant 0 : i32
        %dma_start3A_129 = tpu.memref_slice %arg7[%dma_start3A, %dma_start3A_128] : memref<2x4704xf32, #tpu.memory_space<vmem>> -> memref<1x4704xf32, #tpu.memory_space<vmem>>
        %dma_start3A_130 = tpu.memref_squeeze %dma_start3A_129 : memref<1x4704xf32, #tpu.memory_space<vmem>> -> memref<4704xf32, #tpu.memory_space<vmem>>
        tpu.enqueue_dma source(%dma_start3A_130 : memref<4704xf32, #tpu.memory_space<vmem>>) target(%dma_start3A_127 : memref<4704xf32, #tpu.memory_space<hbm>>) target_semaphore(%arg9 : memref<!tpu.dma_semaphore, #tpu.memory_space<semaphore_mem>>)
      } else {
      }
    }
    %while3A_31 = arith.constant 1 : i32
    scf.for %while3A_59 = %while3A_29 to %while3A_25 step %while3A_31  : i32 {
      %jit3A_60 = arith.constant 2 : i32
      %eq3A_61 = arith.constant 0 : i32
      %eq3A_62 = arith.cmpi eq, %jit3A_60, %eq3A_61 : i32
      %jit3A_63 = arith.constant 1 : i32
      %select_n3A_64 = arith.select %eq3A_62, %jit3A_63, %jit3A_60 : i32
      %rem3A_65 = arith.remsi %while3A_59, %select_n3A_64 : i32
      %ne3A_66 = arith.constant 0 : i32
      %ne3A_67 = arith.cmpi ne, %rem3A_65, %ne3A_66 : i32
      %lt3A_68 = arith.constant 0 : i32
      %lt3A_69 = arith.cmpi slt, %rem3A_65, %lt3A_68 : i32
      %lt3A_70 = arith.constant 0 : i32
      %lt3A_71 = arith.cmpi slt, %select_n3A_64, %lt3A_70 : i32
      %ne3A_72 = arith.xori %lt3A_69, %lt3A_71 : i1
      %and3A_73 = arith.andi %ne3A_72, %ne3A_67 : i1
      %add3A_74 = arith.addi %rem3A_65, %select_n3A_64 : i32
      %select_n3A_75 = arith.select %and3A_73, %add3A_74, %rem3A_65 : i32
      %eq3A_76 = arith.constant 0 : i32
      %eq3A_77 = arith.cmpi eq, %select_n3A_75, %eq3A_76 : i32
      %mul3A_78 = arith.constant 64 : i32
      %mul3A_79 = arith.muli %arg1, %mul3A_78 : i32
      %add3A_80 = arith.addi %mul3A_79, %while3A_59 : i32
      %ge3A = arith.constant 2 : i32
      %ge3A_81 = arith.cmpi sge, %while3A_59, %ge3A : i32
      %and3A_82 = arith.andi %ge3A_81, %eq3A_77 : i1
      %convert_element_type3A = arith.extui %and3A_82 : i1 to i32
      %cond3A = arith.constant 0 : i32
      %cond3A_83 = arith.cmpi ne, %convert_element_type3A, %cond3A : i32
      scf.if %cond3A_83 {
        %dma_wait3A_119 = arith.constant 0 : i32
        %dma_wait3A_120 = arith.constant 0 : i32
        %dma_wait3A_121 = tpu.memref_slice %arg7[%dma_wait3A_119, %dma_wait3A_120] : memref<2x4704xf32, #tpu.memory_space<vmem>> -> memref<1x4704xf32, #tpu.memory_space<vmem>>
        %dma_wait3A_122 = tpu.memref_squeeze %dma_wait3A_121 : memref<1x4704xf32, #tpu.memory_space<vmem>> -> memref<4704xf32, #tpu.memory_space<vmem>>
        %dma_wait3A_123 = arith.constant 0 : i32
        %dma_wait3A_124 = tpu.memref_slice %arg4[%add3A_80, %arg0, %dma_wait3A_123] : memref<1000x2x4704xf32, #tpu.memory_space<hbm>> -> memref<1x1x4704xf32, #tpu.memory_space<hbm>>
        %dma_wait3A_125 = tpu.memref_squeeze %dma_wait3A_124 : memref<1x1x4704xf32, #tpu.memory_space<hbm>> -> memref<4704xf32, #tpu.memory_space<hbm>>
        %dma_wait3A_126 = arith.constant 0 : i32
        %dma_wait3A_127 = tpu.memref_slice %arg4[%add3A_80, %arg0, %dma_wait3A_126] : memref<1000x2x4704xf32, #tpu.memory_space<hbm>> -> memref<1x1x4704xf32, #tpu.memory_space<hbm>>
        %dma_wait3A_128 = tpu.memref_squeeze %dma_wait3A_127 : memref<1x1x4704xf32, #tpu.memory_space<hbm>> -> memref<4704xf32, #tpu.memory_space<hbm>>
        %dma_wait3A_129 = arith.constant 0 : i32
        %dma_wait3A_130 = tpu.memref_slice %arg7[%dma_wait3A_119, %dma_wait3A_129] : memref<2x4704xf32, #tpu.memory_space<vmem>> -> memref<1x4704xf32, #tpu.memory_space<vmem>>
        %dma_wait3A_131 = tpu.memref_squeeze %dma_wait3A_130 : memref<1x4704xf32, #tpu.memory_space<vmem>> -> memref<4704xf32, #tpu.memory_space<vmem>>
        tpu.wait_dma2 semaphore(%arg8 : memref<!tpu.dma_semaphore, #tpu.memory_space<semaphore_mem>>) src(%dma_wait3A_131 : memref<4704xf32, #tpu.memory_space<vmem>>) dst(%dma_wait3A_128 : memref<4704xf32, #tpu.memory_space<hbm>>)
      } else {
      }
      %ge3A_84 = arith.constant 2 : i32
      %ge3A_85 = arith.cmpi sge, %while3A_59, %ge3A_84 : i32
      %not3A = arith.constant true
      %not3A_86 = arith.xori %eq3A_77, %not3A : i1
      %and3A_87 = arith.andi %ge3A_85, %not3A_86 : i1
      %convert_element_type3A_88 = arith.extui %and3A_87 : i1 to i32
      %cond3A_89 = arith.constant 0 : i32
      %cond3A_90 = arith.cmpi ne, %convert_element_type3A_88, %cond3A_89 : i32
      scf.if %cond3A_90 {
        %dma_wait3A_119 = arith.constant 1 : i32
        %dma_wait3A_120 = arith.constant 0 : i32
        %dma_wait3A_121 = tpu.memref_slice %arg7[%dma_wait3A_119, %dma_wait3A_120] : memref<2x4704xf32, #tpu.memory_space<vmem>> -> memref<1x4704xf32, #tpu.memory_space<vmem>>
        %dma_wait3A_122 = tpu.memref_squeeze %dma_wait3A_121 : memref<1x4704xf32, #tpu.memory_space<vmem>> -> memref<4704xf32, #tpu.memory_space<vmem>>
        %dma_wait3A_123 = arith.constant 0 : i32
        %dma_wait3A_124 = tpu.memref_slice %arg4[%add3A_80, %arg0, %dma_wait3A_123] : memref<1000x2x4704xf32, #tpu.memory_space<hbm>> -> memref<1x1x4704xf32, #tpu.memory_space<hbm>>
        %dma_wait3A_125 = tpu.memref_squeeze %dma_wait3A_124 : memref<1x1x4704xf32, #tpu.memory_space<hbm>> -> memref<4704xf32, #tpu.memory_space<hbm>>
        %dma_wait3A_126 = arith.constant 0 : i32
        %dma_wait3A_127 = tpu.memref_slice %arg4[%add3A_80, %arg0, %dma_wait3A_126] : memref<1000x2x4704xf32, #tpu.memory_space<hbm>> -> memref<1x1x4704xf32, #tpu.memory_space<hbm>>
        %dma_wait3A_128 = tpu.memref_squeeze %dma_wait3A_127 : memref<1x1x4704xf32, #tpu.memory_space<hbm>> -> memref<4704xf32, #tpu.memory_space<hbm>>
        %dma_wait3A_129 = arith.constant 0 : i32
        %dma_wait3A_130 = tpu.memref_slice %arg7[%dma_wait3A_119, %dma_wait3A_129] : memref<2x4704xf32, #tpu.memory_space<vmem>> -> memref<1x4704xf32, #tpu.memory_space<vmem>>
        %dma_wait3A_131 = tpu.memref_squeeze %dma_wait3A_130 : memref<1x4704xf32, #tpu.memory_space<vmem>> -> memref<4704xf32, #tpu.memory_space<vmem>>
        tpu.wait_dma2 semaphore(%arg9 : memref<!tpu.dma_semaphore, #tpu.memory_space<semaphore_mem>>) src(%dma_wait3A_131 : memref<4704xf32, #tpu.memory_space<vmem>>) dst(%dma_wait3A_128 : memref<4704xf32, #tpu.memory_space<hbm>>)
      } else {
      }
      %mul3A_91 = arith.constant 2 : i32
      %mul3A_92 = arith.muli %while3A_59, %mul3A_91 : i32
      %mul3A_93 = arith.constant 16 : i32
      %mul3A_94 = arith.muli %mul3A_92, %mul3A_93 : i32
      %get3A = arith.index_cast %mul3A_94 : i32 to index
      %get3A_95 = tpu.vector_load %arg6[%get3A] {strides = array<i32>} : memref<2048xi32, #tpu.memory_space<vmem>>, vector<16xi32>,
      %get3A_96 = vector.shape_cast %get3A_95 : vector<16xi32> to vector<16xi32>
      %mul3A_97 = arith.constant 2 : i32
      %mul3A_98 = arith.muli %while3A_59, %mul3A_97 : i32
      %mul3A_99 = arith.constant 16 : i32
      %mul3A_100 = arith.muli %mul3A_98, %mul3A_99 : i32
      %add3A_101 = arith.constant 16 : i32
      %add3A_102 = arith.addi %mul3A_100, %add3A_101 : i32
      %get3A_103 = arith.index_cast %add3A_102 : i32 to index
      %get3A_104 = tpu.vector_load %arg6[%get3A_103] {strides = array<i32>} : memref<2048xi32, #tpu.memory_space<vmem>>, vector<16xi32>,
      %get3A_105 = vector.shape_cast %get3A_104 : vector<16xi32> to vector<16xi32>
      %scan3A = arith.constant 0 : i32
      %scan3A_106 = arith.constant 7 : i32
      %scan3A_107 = arith.addi %scan3A, %scan3A_106 : i32
      %scan3A_108 = arith.constant 1 : i32
      %scan3A_109 = scf.for %scan3A_119 = %scan3A to %scan3A_107 step %scan3A_108 iter_args(%scan3A_120 = %get3A_96) -> (vector<16xi32>)  : i32 {
        %slice3A = vector.extract_strided_slice %scan3A_120 {offsets = [0], sizes = [1], strides = [1]} : vector<16xi32> to vector<1xi32>
        %squeeze3A = vector.extract %slice3A[0] : i32 from vector<1xi32>
        %slice3A_121 = vector.extract_strided_slice %scan3A_120 {offsets = [7], sizes = [1], strides = [1]} : vector<16xi32> to vector<1xi32>
        %squeeze3A_122 = vector.extract %slice3A_121[0] : i32 from vector<1xi32>
        %scan3A_123 = arith.constant 0 : i32
        %scan3A_124 = arith.constant 7 : i32
        %scan3A_125 = arith.addi %scan3A_123, %scan3A_124 : i32
        %scan3A_126 = arith.constant 1 : i32
        %scan3A_127 = scf.for %scan3A_138 = %scan3A_123 to %scan3A_125 step %scan3A_126 iter_args(%scan3A_139 = %get3A_105) -> (vector<16xi32>)  : i32 {
          %slice3A_140 = vector.extract_strided_slice %scan3A_139 {offsets = [0], sizes = [1], strides = [1]} : vector<16xi32> to vector<1xi32>
          %squeeze3A_141 = vector.extract %slice3A_140[0] : i32 from vector<1xi32>
          %slice3A_142 = vector.extract_strided_slice %scan3A_139 {offsets = [7], sizes = [1], strides = [1]} : vector<16xi32> to vector<1xi32>
          %squeeze3A_143 = vector.extract %slice3A_142[0] : i32 from vector<1xi32>
          %mul3A_144 = arith.constant 7 : i32
          %mul3A_145 = arith.muli %scan3A_119, %mul3A_144 : i32
          %add3A_146 = arith.addi %mul3A_145, %scan3A_138 : i32
          %mul3A_147 = arith.constant 96 : i32
          %mul3A_148 = arith.muli %add3A_146, %mul3A_147 : i32
          %sub3A_149 = arith.subi %squeeze3A_122, %squeeze3A : i32
          %ge3A_150 = arith.constant 1 : i32
          %ge3A_151 = arith.cmpi sge, %sub3A_149, %ge3A_150 : i32
          %sub3A_152 = arith.subi %squeeze3A_122, %squeeze3A : i32
          %le3A = arith.constant 2 : i32
          %le3A_153 = arith.cmpi sle, %sub3A_152, %le3A : i32
          %and3A_154 = arith.andi %ge3A_151, %le3A_153 : i1
          %sub3A_155 = arith.subi %squeeze3A_143, %squeeze3A_141 : i32
          %ge3A_156 = arith.constant 1 : i32
          %ge3A_157 = arith.cmpi sge, %sub3A_155, %ge3A_156 : i32
          %and3A_158 = arith.andi %and3A_154, %ge3A_157 : i1
          %sub3A_159 = arith.subi %squeeze3A_143, %squeeze3A_141 : i32
          %le3A_160 = arith.constant 2 : i32
          %le3A_161 = arith.cmpi sle, %sub3A_159, %le3A_160 : i32
          %and3A_162 = arith.andi %and3A_158, %le3A_161 : i1
          %convert_element_type3A_163 = arith.extui %and3A_162 : i1 to i32
          %cond3A_164 = arith.constant 0 : i32
          %cond3A_165 = arith.cmpi ne, %convert_element_type3A_163, %cond3A_164 : i32
          scf.if %cond3A_165 {
            %mul3A_181 = arith.constant 32 : i32
            %mul3A_182 = arith.muli %squeeze3A, %mul3A_181 : i32
            %sub3A_183 = arith.constant 1 : i32
            %sub3A_184 = arith.subi %squeeze3A_122, %sub3A_183 : i32
            %mul3A_185 = arith.constant 32 : i32
            %mul3A_186 = arith.muli %sub3A_184, %mul3A_185 : i32
            %sub3A_187 = arith.constant 1 : i32
            %sub3A_188 = arith.subi %squeeze3A_143, %sub3A_187 : i32
            %add3A_189 = arith.addi %mul3A_182, %squeeze3A_141 : i32
            %mul3A_190 = arith.constant 96 : i32
            %mul3A_191 = arith.muli %add3A_189, %mul3A_190 : i32
            %add3A_192 = arith.addi %mul3A_182, %sub3A_188 : i32
            %mul3A_193 = arith.constant 96 : i32
            %mul3A_194 = arith.muli %add3A_192, %mul3A_193 : i32
            %add3A_195 = arith.addi %mul3A_186, %squeeze3A_141 : i32
            %mul3A_196 = arith.constant 96 : i32
            %mul3A_197 = arith.muli %add3A_195, %mul3A_196 : i32
            %add3A_198 = arith.addi %mul3A_186, %sub3A_188 : i32
            %mul3A_199 = arith.constant 96 : i32
            %mul3A_200 = arith.muli %add3A_198, %mul3A_199 : i32
            %add3A_201 = arith.constant 0 : i32
            %add3A_202 = arith.addi %mul3A_191, %add3A_201 : i32
            %get3A_203 = arith.index_cast %add3A_202 : i32 to index
            %get3A_204 = tpu.vector_load %arg5[%get3A_203] {strides = array<i32>} : memref<98304xf32, #tpu.memory_space<vmem>>, vector<16xf32>,
            %get3A_205 = vector.shape_cast %get3A_204 : vector<16xf32> to vector<16xf32>
            %add3A_206 = arith.constant 0 : i32
            %add3A_207 = arith.addi %mul3A_194, %add3A_206 : i32
            %get3A_208 = arith.index_cast %add3A_207 : i32 to index
            %get3A_209 = tpu.vector_load %arg5[%get3A_208] {strides = array<i32>} : memref<98304xf32, #tpu.memory_space<vmem>>, vector<16xf32>,
            %get3A_210 = vector.shape_cast %get3A_209 : vector<16xf32> to vector<16xf32>
            %max3A = arith.maximumf %get3A_205, %get3A_210 : vector<16xf32>
            %add3A_211 = arith.constant 0 : i32
            %add3A_212 = arith.addi %mul3A_197, %add3A_211 : i32
            %get3A_213 = arith.index_cast %add3A_212 : i32 to index
            %get3A_214 = tpu.vector_load %arg5[%get3A_213] {strides = array<i32>} : memref<98304xf32, #tpu.memory_space<vmem>>, vector<16xf32>,
            %get3A_215 = vector.shape_cast %get3A_214 : vector<16xf32> to vector<16xf32>
            %add3A_216 = arith.constant 0 : i32
            %add3A_217 = arith.addi %mul3A_200, %add3A_216 : i32
            %get3A_218 = arith.index_cast %add3A_217 : i32 to index
            %get3A_219 = tpu.vector_load %arg5[%get3A_218] {strides = array<i32>} : memref<98304xf32, #tpu.memory_space<vmem>>, vector<16xf32>,
            %get3A_220 = vector.shape_cast %get3A_219 : vector<16xf32> to vector<16xf32>
            %max3A_221 = arith.maximumf %get3A_215, %get3A_220 : vector<16xf32>
            %max3A_222 = arith.maximumf %max3A, %max3A_221 : vector<16xf32>
            %add3A_223 = arith.constant 0 : i32
            %add3A_224 = arith.addi %mul3A_148, %add3A_223 : i32
            %swap3A = arith.index_cast %select_n3A_75 : i32 to index
            %swap3A_225 = arith.index_cast %add3A_224 : i32 to index
            %swap3A_226 = tpu.vector_load %arg7[%swap3A, %swap3A_225] {strides = array<i32>} : memref<2x4704xf32, #tpu.memory_space<vmem>>, vector<1x16xf32>,
            %swap3A_227 = vector.shape_cast %swap3A_226 : vector<1x16xf32> to vector<16xf32>
            %swap3A_228 = vector.shape_cast %max3A_222 : vector<16xf32> to vector<1x16xf32>
            tpu.vector_store %arg7[%swap3A, %swap3A_225], %swap3A_228 {strides = array<i32>} : memref<2x4704xf32, #tpu.memory_space<vmem>>, vector<1x16xf32>,
            %add3A_229 = arith.constant 16 : i32
            %add3A_230 = arith.addi %mul3A_191, %add3A_229 : i32
            %get3A_231 = arith.index_cast %add3A_230 : i32 to index
            %get3A_232 = tpu.vector_load %arg5[%get3A_231] {strides = array<i32>} : memref<98304xf32, #tpu.memory_space<vmem>>, vector<16xf32>,
            %get3A_233 = vector.shape_cast %get3A_232 : vector<16xf32> to vector<16xf32>
            %add3A_234 = arith.constant 16 : i32
            %add3A_235 = arith.addi %mul3A_194, %add3A_234 : i32
            %get3A_236 = arith.index_cast %add3A_235 : i32 to index
            %get3A_237 = tpu.vector_load %arg5[%get3A_236] {strides = array<i32>} : memref<98304xf32, #tpu.memory_space<vmem>>, vector<16xf32>,
            %get3A_238 = vector.shape_cast %get3A_237 : vector<16xf32> to vector<16xf32>
            %max3A_239 = arith.maximumf %get3A_233, %get3A_238 : vector<16xf32>
            %add3A_240 = arith.constant 16 : i32
            %add3A_241 = arith.addi %mul3A_197, %add3A_240 : i32
            %get3A_242 = arith.index_cast %add3A_241 : i32 to index
            %get3A_243 = tpu.vector_load %arg5[%get3A_242] {strides = array<i32>} : memref<98304xf32, #tpu.memory_space<vmem>>, vector<16xf32>,
            %get3A_244 = vector.shape_cast %get3A_243 : vector<16xf32> to vector<16xf32>
            %add3A_245 = arith.constant 16 : i32
            %add3A_246 = arith.addi %mul3A_200, %add3A_245 : i32
            %get3A_247 = arith.index_cast %add3A_246 : i32 to index
            %get3A_248 = tpu.vector_load %arg5[%get3A_247] {strides = array<i32>} : memref<98304xf32, #tpu.memory_space<vmem>>, vector<16xf32>,
            %get3A_249 = vector.shape_cast %get3A_248 : vector<16xf32> to vector<16xf32>
            %max3A_250 = arith.maximumf %get3A_244, %get3A_249 : vector<16xf32>
            %max3A_251 = arith.maximumf %max3A_239, %max3A_250 : vector<16xf32>
            %add3A_252 = arith.constant 16 : i32
            %add3A_253 = arith.addi %mul3A_148, %add3A_252 : i32
            %swap3A_254 = arith.index_cast %select_n3A_75 : i32 to index
            %swap3A_255 = arith.index_cast %add3A_253 : i32 to index
            %swap3A_256 = tpu.vector_load %arg7[%swap3A_254, %swap3A_255] {strides = array<i32>} : memref<2x4704xf32, #tpu.memory_space<vmem>>, vector<1x16xf32>,
            %swap3A_257 = vector.shape_cast %swap3A_256 : vector<1x16xf32> to vector<16xf32>
            %swap3A_258 = vector.shape_cast %max3A_251 : vector<16xf32> to vector<1x16xf32>
            tpu.vector_store %arg7[%swap3A_254, %swap3A_255], %swap3A_258 {strides = array<i32>} : memref<2x4704xf32, #tpu.memory_space<vmem>>, vector<1x16xf32>,
            %add3A_259 = arith.constant 32 : i32
            %add3A_260 = arith.addi %mul3A_191, %add3A_259 : i32
            %get3A_261 = arith.index_cast %add3A_260 : i32 to index
            %get3A_262 = tpu.vector_load %arg5[%get3A_261] {strides = array<i32>} : memref<98304xf32, #tpu.memory_space<vmem>>, vector<16xf32>,
            %get3A_263 = vector.shape_cast %get3A_262 : vector<16xf32> to vector<16xf32>
            %add3A_264 = arith.constant 32 : i32
            %add3A_265 = arith.addi %mul3A_194, %add3A_264 : i32
            %get3A_266 = arith.index_cast %add3A_265 : i32 to index
            %get3A_267 = tpu.vector_load %arg5[%get3A_266] {strides = array<i32>} : memref<98304xf32, #tpu.memory_space<vmem>>, vector<16xf32>,
            %get3A_268 = vector.shape_cast %get3A_267 : vector<16xf32> to vector<16xf32>
            %max3A_269 = arith.maximumf %get3A_263, %get3A_268 : vector<16xf32>
            %add3A_270 = arith.constant 32 : i32
            %add3A_271 = arith.addi %mul3A_197, %add3A_270 : i32
            %get3A_272 = arith.index_cast %add3A_271 : i32 to index
            %get3A_273 = tpu.vector_load %arg5[%get3A_272] {strides = array<i32>} : memref<98304xf32, #tpu.memory_space<vmem>>, vector<16xf32>,
            %get3A_274 = vector.shape_cast %get3A_273 : vector<16xf32> to vector<16xf32>
            %add3A_275 = arith.constant 32 : i32
            %add3A_276 = arith.addi %mul3A_200, %add3A_275 : i32
            %get3A_277 = arith.index_cast %add3A_276 : i32 to index
            %get3A_278 = tpu.vector_load %arg5[%get3A_277] {strides = array<i32>} : memref<98304xf32, #tpu.memory_space<vmem>>, vector<16xf32>,
            %get3A_279 = vector.shape_cast %get3A_278 : vector<16xf32> to vector<16xf32>
            %max3A_280 = arith.maximumf %get3A_274, %get3A_279 : vector<16xf32>
            %max3A_281 = arith.maximumf %max3A_269, %max3A_280 : vector<16xf32>
            %add3A_282 = arith.constant 32 : i32
            %add3A_283 = arith.addi %mul3A_148, %add3A_282 : i32
            %swap3A_284 = arith.index_cast %select_n3A_75 : i32 to index
            %swap3A_285 = arith.index_cast %add3A_283 : i32 to index
            %swap3A_286 = tpu.vector_load %arg7[%swap3A_284, %swap3A_285] {strides = array<i32>} : memref<2x4704xf32, #tpu.memory_space<vmem>>, vector<1x16xf32>,
            %swap3A_287 = vector.shape_cast %swap3A_286 : vector<1x16xf32> to vector<16xf32>
            %swap3A_288 = vector.shape_cast %max3A_281 : vector<16xf32> to vector<1x16xf32>
            tpu.vector_store %arg7[%swap3A_284, %swap3A_285], %swap3A_288 {strides = array<i32>} : memref<2x4704xf32, #tpu.memory_space<vmem>>, vector<1x16xf32>,
            %add3A_289 = arith.constant 48 : i32
            %add3A_290 = arith.addi %mul3A_191, %add3A_289 : i32
            %get3A_291 = arith.index_cast %add3A_290 : i32 to index
            %get3A_292 = tpu.vector_load %arg5[%get3A_291] {strides = array<i32>} : memref<98304xf32, #tpu.memory_space<vmem>>, vector<16xf32>,
            %get3A_293 = vector.shape_cast %get3A_292 : vector<16xf32> to vector<16xf32>
            %add3A_294 = arith.constant 48 : i32
            %add3A_295 = arith.addi %mul3A_194, %add3A_294 : i32
            %get3A_296 = arith.index_cast %add3A_295 : i32 to index
            %get3A_297 = tpu.vector_load %arg5[%get3A_296] {strides = array<i32>} : memref<98304xf32, #tpu.memory_space<vmem>>, vector<16xf32>,
            %get3A_298 = vector.shape_cast %get3A_297 : vector<16xf32> to vector<16xf32>
            %max3A_299 = arith.maximumf %get3A_293, %get3A_298 : vector<16xf32>
            %add3A_300 = arith.constant 48 : i32
            %add3A_301 = arith.addi %mul3A_197, %add3A_300 : i32
            %get3A_302 = arith.index_cast %add3A_301 : i32 to index
            %get3A_303 = tpu.vector_load %arg5[%get3A_302] {strides = array<i32>} : memref<98304xf32, #tpu.memory_space<vmem>>, vector<16xf32>,
            %get3A_304 = vector.shape_cast %get3A_303 : vector<16xf32> to vector<16xf32>
            %add3A_305 = arith.constant 48 : i32
            %add3A_306 = arith.addi %mul3A_200, %add3A_305 : i32
            %get3A_307 = arith.index_cast %add3A_306 : i32 to index
            %get3A_308 = tpu.vector_load %arg5[%get3A_307] {strides = array<i32>} : memref<98304xf32, #tpu.memory_space<vmem>>, vector<16xf32>,
            %get3A_309 = vector.shape_cast %get3A_308 : vector<16xf32> to vector<16xf32>
            %max3A_310 = arith.maximumf %get3A_304, %get3A_309 : vector<16xf32>
            %max3A_311 = arith.maximumf %max3A_299, %max3A_310 : vector<16xf32>
            %add3A_312 = arith.constant 48 : i32
            %add3A_313 = arith.addi %mul3A_148, %add3A_312 : i32
            %swap3A_314 = arith.index_cast %select_n3A_75 : i32 to index
            %swap3A_315 = arith.index_cast %add3A_313 : i32 to index
            %swap3A_316 = tpu.vector_load %arg7[%swap3A_314, %swap3A_315] {strides = array<i32>} : memref<2x4704xf32, #tpu.memory_space<vmem>>, vector<1x16xf32>,
            %swap3A_317 = vector.shape_cast %swap3A_316 : vector<1x16xf32> to vector<16xf32>
            %swap3A_318 = vector.shape_cast %max3A_311 : vector<16xf32> to vector<1x16xf32>
            tpu.vector_store %arg7[%swap3A_314, %swap3A_315], %swap3A_318 {strides = array<i32>} : memref<2x4704xf32, #tpu.memory_space<vmem>>, vector<1x16xf32>,
            %add3A_319 = arith.constant 64 : i32
            %add3A_320 = arith.addi %mul3A_191, %add3A_319 : i32
            %get3A_321 = arith.index_cast %add3A_320 : i32 to index
            %get3A_322 = tpu.vector_load %arg5[%get3A_321] {strides = array<i32>} : memref<98304xf32, #tpu.memory_space<vmem>>, vector<16xf32>,
            %get3A_323 = vector.shape_cast %get3A_322 : vector<16xf32> to vector<16xf32>
            %add3A_324 = arith.constant 64 : i32
            %add3A_325 = arith.addi %mul3A_194, %add3A_324 : i32
            %get3A_326 = arith.index_cast %add3A_325 : i32 to index
            %get3A_327 = tpu.vector_load %arg5[%get3A_326] {strides = array<i32>} : memref<98304xf32, #tpu.memory_space<vmem>>, vector<16xf32>,
            %get3A_328 = vector.shape_cast %get3A_327 : vector<16xf32> to vector<16xf32>
            %max3A_329 = arith.maximumf %get3A_323, %get3A_328 : vector<16xf32>
            %add3A_330 = arith.constant 64 : i32
            %add3A_331 = arith.addi %mul3A_197, %add3A_330 : i32
            %get3A_332 = arith.index_cast %add3A_331 : i32 to index
            %get3A_333 = tpu.vector_load %arg5[%get3A_332] {strides = array<i32>} : memref<98304xf32, #tpu.memory_space<vmem>>, vector<16xf32>,
            %get3A_334 = vector.shape_cast %get3A_333 : vector<16xf32> to vector<16xf32>
            %add3A_335 = arith.constant 64 : i32
            %add3A_336 = arith.addi %mul3A_200, %add3A_335 : i32
            %get3A_337 = arith.index_cast %add3A_336 : i32 to index
            %get3A_338 = tpu.vector_load %arg5[%get3A_337] {strides = array<i32>} : memref<98304xf32, #tpu.memory_space<vmem>>, vector<16xf32>,
            %get3A_339 = vector.shape_cast %get3A_338 : vector<16xf32> to vector<16xf32>
            %max3A_340 = arith.maximumf %get3A_334, %get3A_339 : vector<16xf32>
            %max3A_341 = arith.maximumf %max3A_329, %max3A_340 : vector<16xf32>
            %add3A_342 = arith.constant 64 : i32
            %add3A_343 = arith.addi %mul3A_148, %add3A_342 : i32
            %swap3A_344 = arith.index_cast %select_n3A_75 : i32 to index
            %swap3A_345 = arith.index_cast %add3A_343 : i32 to index
            %swap3A_346 = tpu.vector_load %arg7[%swap3A_344, %swap3A_345] {strides = array<i32>} : memref<2x4704xf32, #tpu.memory_space<vmem>>, vector<1x16xf32>,
            %swap3A_347 = vector.shape_cast %swap3A_346 : vector<1x16xf32> to vector<16xf32>
            %swap3A_348 = vector.shape_cast %max3A_341 : vector<16xf32> to vector<1x16xf32>
            tpu.vector_store %arg7[%swap3A_344, %swap3A_345], %swap3A_348 {strides = array<i32>} : memref<2x4704xf32, #tpu.memory_space<vmem>>, vector<1x16xf32>,
            %add3A_349 = arith.constant 80 : i32
            %add3A_350 = arith.addi %mul3A_191, %add3A_349 : i32
            %get3A_351 = arith.index_cast %add3A_350 : i32 to index
            %get3A_352 = tpu.vector_load %arg5[%get3A_351] {strides = array<i32>} : memref<98304xf32, #tpu.memory_space<vmem>>, vector<16xf32>,
            %get3A_353 = vector.shape_cast %get3A_352 : vector<16xf32> to vector<16xf32>
            %add3A_354 = arith.constant 80 : i32
            %add3A_355 = arith.addi %mul3A_194, %add3A_354 : i32
            %get3A_356 = arith.index_cast %add3A_355 : i32 to index
            %get3A_357 = tpu.vector_load %arg5[%get3A_356] {strides = array<i32>} : memref<98304xf32, #tpu.memory_space<vmem>>, vector<16xf32>,
            %get3A_358 = vector.shape_cast %get3A_357 : vector<16xf32> to vector<16xf32>
            %max3A_359 = arith.maximumf %get3A_353, %get3A_358 : vector<16xf32>
            %add3A_360 = arith.constant 80 : i32
            %add3A_361 = arith.addi %mul3A_197, %add3A_360 : i32
            %get3A_362 = arith.index_cast %add3A_361 : i32 to index
            %get3A_363 = tpu.vector_load %arg5[%get3A_362] {strides = array<i32>} : memref<98304xf32, #tpu.memory_space<vmem>>, vector<16xf32>,
            %get3A_364 = vector.shape_cast %get3A_363 : vector<16xf32> to vector<16xf32>
            %add3A_365 = arith.constant 80 : i32
            %add3A_366 = arith.addi %mul3A_200, %add3A_365 : i32
            %get3A_367 = arith.index_cast %add3A_366 : i32 to index
            %get3A_368 = tpu.vector_load %arg5[%get3A_367] {strides = array<i32>} : memref<98304xf32, #tpu.memory_space<vmem>>, vector<16xf32>,
            %get3A_369 = vector.shape_cast %get3A_368 : vector<16xf32> to vector<16xf32>
            %max3A_370 = arith.maximumf %get3A_364, %get3A_369 : vector<16xf32>
            %max3A_371 = arith.maximumf %max3A_359, %max3A_370 : vector<16xf32>
            %add3A_372 = arith.constant 80 : i32
            %add3A_373 = arith.addi %mul3A_148, %add3A_372 : i32
            %swap3A_374 = arith.index_cast %select_n3A_75 : i32 to index
            %swap3A_375 = arith.index_cast %add3A_373 : i32 to index
            %swap3A_376 = tpu.vector_load %arg7[%swap3A_374, %swap3A_375] {strides = array<i32>} : memref<2x4704xf32, #tpu.memory_space<vmem>>, vector<1x16xf32>,
            %swap3A_377 = vector.shape_cast %swap3A_376 : vector<1x16xf32> to vector<16xf32>
            %swap3A_378 = vector.shape_cast %max3A_371 : vector<16xf32> to vector<1x16xf32>
            tpu.vector_store %arg7[%swap3A_374, %swap3A_375], %swap3A_378 {strides = array<i32>} : memref<2x4704xf32, #tpu.memory_space<vmem>>, vector<1x16xf32>,
          } else {
          }
          %not3A_166 = arith.constant true
          %not3A_167 = arith.xori %and3A_162, %not3A_166 : i1
          %convert_element_type3A_168 = arith.extui %not3A_167 : i1 to i32
          %cond3A_169 = arith.constant 0 : i32
          %cond3A_170 = arith.cmpi ne, %convert_element_type3A_168, %cond3A_169 : i32
          scf.if %cond3A_170 {
            %while3A_181 = arith.subi %squeeze3A_122, %squeeze3A : i32
            %while3A_182 = arith.addi %squeeze3A, %while3A_181 : i32
            %while3A_183 = arith.constant 1 : i32
            %while3A_184 = arith.divsi %while3A_181, %while3A_183 : i32
            %while3A_185 = arith.muli %while3A_184, %while3A_183 : i32
            %while3A_186 = arith.addi %squeeze3A, %while3A_185 : i32
            %while3A_187 = arith.constant 1 : i32
            %while3A_188:6 = scf.for %while3A_241 = %squeeze3A to %while3A_186 step %while3A_187 iter_args(%while3A_242 = %broadcast_in_dim3A_0, %while3A_243 = %broadcast_in_dim3A_0, %while3A_244 = %broadcast_in_dim3A_0, %while3A_245 = %broadcast_in_dim3A_0, %while3A_246 = %broadcast_in_dim3A_0, %while3A_247 = %broadcast_in_dim3A_0) -> (vector<16xf32>, vector<16xf32>, vector<16xf32>, vector<16xf32>, vector<16xf32>, vector<16xf32>)  : i32 {
              %mul3A_248 = arith.constant 32 : i32
              %mul3A_249 = arith.muli %while3A_241, %mul3A_248 : i32
              %while3A_250 = arith.subi %squeeze3A_143, %squeeze3A_141 : i32
              %while3A_251 = arith.addi %squeeze3A_141, %while3A_250 : i32
              %while3A_252 = arith.constant 1 : i32
              %while3A_253 = arith.divsi %while3A_250, %while3A_252 : i32
              %while3A_254 = arith.muli %while3A_253, %while3A_252 : i32
              %while3A_255 = arith.addi %squeeze3A_141, %while3A_254 : i32
              %while3A_256 = arith.constant 1 : i32
              %while3A_257:6 = scf.for %while3A_260 = %squeeze3A_141 to %while3A_255 step %while3A_256 iter_args(%while3A_261 = %while3A_242, %while3A_262 = %while3A_243, %while3A_263 = %while3A_244, %while3A_264 = %while3A_245, %while3A_265 = %while3A_246, %while3A_266 = %while3A_247) -> (vector<16xf32>, vector<16xf32>, vector<16xf32>, vector<16xf32>, vector<16xf32>, vector<16xf32>)  : i32 {
                %add3A_267 = arith.addi %mul3A_249, %while3A_260 : i32
                %mul3A_268 = arith.constant 96 : i32
                %mul3A_269 = arith.muli %add3A_267, %mul3A_268 : i32
                %add3A_270 = arith.constant 0 : i32
                %add3A_271 = arith.addi %mul3A_269, %add3A_270 : i32
                %get3A_272 = arith.index_cast %add3A_271 : i32 to index
                %get3A_273 = tpu.vector_load %arg5[%get3A_272] {strides = array<i32>} : memref<98304xf32, #tpu.memory_space<vmem>>, vector<16xf32>,
                %get3A_274 = vector.shape_cast %get3A_273 : vector<16xf32> to vector<16xf32>
                %max3A = arith.maximumf %while3A_261, %get3A_274 : vector<16xf32>
                %add3A_275 = arith.constant 16 : i32
                %add3A_276 = arith.addi %mul3A_269, %add3A_275 : i32
                %get3A_277 = arith.index_cast %add3A_276 : i32 to index
                %get3A_278 = tpu.vector_load %arg5[%get3A_277] {strides = array<i32>} : memref<98304xf32, #tpu.memory_space<vmem>>, vector<16xf32>,
                %get3A_279 = vector.shape_cast %get3A_278 : vector<16xf32> to vector<16xf32>
                %max3A_280 = arith.maximumf %while3A_262, %get3A_279 : vector<16xf32>
                %add3A_281 = arith.constant 32 : i32
                %add3A_282 = arith.addi %mul3A_269, %add3A_281 : i32
                %get3A_283 = arith.index_cast %add3A_282 : i32 to index
                %get3A_284 = tpu.vector_load %arg5[%get3A_283] {strides = array<i32>} : memref<98304xf32, #tpu.memory_space<vmem>>, vector<16xf32>,
                %get3A_285 = vector.shape_cast %get3A_284 : vector<16xf32> to vector<16xf32>
                %max3A_286 = arith.maximumf %while3A_263, %get3A_285 : vector<16xf32>
                %add3A_287 = arith.constant 48 : i32
                %add3A_288 = arith.addi %mul3A_269, %add3A_287 : i32
                %get3A_289 = arith.index_cast %add3A_288 : i32 to index
                %get3A_290 = tpu.vector_load %arg5[%get3A_289] {strides = array<i32>} : memref<98304xf32, #tpu.memory_space<vmem>>, vector<16xf32>,
                %get3A_291 = vector.shape_cast %get3A_290 : vector<16xf32> to vector<16xf32>
                %max3A_292 = arith.maximumf %while3A_264, %get3A_291 : vector<16xf32>
                %add3A_293 = arith.constant 64 : i32
                %add3A_294 = arith.addi %mul3A_269, %add3A_293 : i32
                %get3A_295 = arith.index_cast %add3A_294 : i32 to index
                %get3A_296 = tpu.vector_load %arg5[%get3A_295] {strides = array<i32>} : memref<98304xf32, #tpu.memory_space<vmem>>, vector<16xf32>,
                %get3A_297 = vector.shape_cast %get3A_296 : vector<16xf32> to vector<16xf32>
                %max3A_298 = arith.maximumf %while3A_265, %get3A_297 : vector<16xf32>
                %add3A_299 = arith.constant 80 : i32
                %add3A_300 = arith.addi %mul3A_269, %add3A_299 : i32
                %get3A_301 = arith.index_cast %add3A_300 : i32 to index
                %get3A_302 = tpu.vector_load %arg5[%get3A_301] {strides = array<i32>} : memref<98304xf32, #tpu.memory_space<vmem>>, vector<16xf32>,
                %get3A_303 = vector.shape_cast %get3A_302 : vector<16xf32> to vector<16xf32>
                %max3A_304 = arith.maximumf %while3A_266, %get3A_303 : vector<16xf32>
                scf.yield %max3A, %max3A_280, %max3A_286, %max3A_292, %max3A_298, %max3A_304 : vector<16xf32>, vector<16xf32>, vector<16xf32>, vector<16xf32>, vector<16xf32>, vector<16xf32>
              }
              %while3A_258 = arith.constant 1 : i32
              %while3A_259:6 = scf.for %while3A_260 = %while3A_255 to %while3A_251 step %while3A_258 iter_args(%while3A_261 = %while3A_257#0, %while3A_262 = %while3A_257#1, %while3A_263 = %while3A_257#2, %while3A_264 = %while3A_257#3, %while3A_265 = %while3A_257#4, %while3A_266 = %while3A_257#5) -> (vector<16xf32>, vector<16xf32>, vector<16xf32>, vector<16xf32>, vector<16xf32>, vector<16xf32>)  : i32 {
                %add3A_267 = arith.addi %mul3A_249, %while3A_260 : i32
                %mul3A_268 = arith.constant 96 : i32
                %mul3A_269 = arith.muli %add3A_267, %mul3A_268 : i32
                %add3A_270 = arith.constant 0 : i32
                %add3A_271 = arith.addi %mul3A_269, %add3A_270 : i32
                %get3A_272 = arith.index_cast %add3A_271 : i32 to index
                %get3A_273 = tpu.vector_load %arg5[%get3A_272] {strides = array<i32>} : memref<98304xf32, #tpu.memory_space<vmem>>, vector<16xf32>,
                %get3A_274 = vector.shape_cast %get3A_273 : vector<16xf32> to vector<16xf32>
                %max3A = arith.maximumf %while3A_261, %get3A_274 : vector<16xf32>
                %add3A_275 = arith.constant 16 : i32
                %add3A_276 = arith.addi %mul3A_269, %add3A_275 : i32
                %get3A_277 = arith.index_cast %add3A_276 : i32 to index
                %get3A_278 = tpu.vector_load %arg5[%get3A_277] {strides = array<i32>} : memref<98304xf32, #tpu.memory_space<vmem>>, vector<16xf32>,
                %get3A_279 = vector.shape_cast %get3A_278 : vector<16xf32> to vector<16xf32>
                %max3A_280 = arith.maximumf %while3A_262, %get3A_279 : vector<16xf32>
                %add3A_281 = arith.constant 32 : i32
                %add3A_282 = arith.addi %mul3A_269, %add3A_281 : i32
                %get3A_283 = arith.index_cast %add3A_282 : i32 to index
                %get3A_284 = tpu.vector_load %arg5[%get3A_283] {strides = array<i32>} : memref<98304xf32, #tpu.memory_space<vmem>>, vector<16xf32>,
                %get3A_285 = vector.shape_cast %get3A_284 : vector<16xf32> to vector<16xf32>
                %max3A_286 = arith.maximumf %while3A_263, %get3A_285 : vector<16xf32>
                %add3A_287 = arith.constant 48 : i32
                %add3A_288 = arith.addi %mul3A_269, %add3A_287 : i32
                %get3A_289 = arith.index_cast %add3A_288 : i32 to index
                %get3A_290 = tpu.vector_load %arg5[%get3A_289] {strides = array<i32>} : memref<98304xf32, #tpu.memory_space<vmem>>, vector<16xf32>,
                %get3A_291 = vector.shape_cast %get3A_290 : vector<16xf32> to vector<16xf32>
                %max3A_292 = arith.maximumf %while3A_264, %get3A_291 : vector<16xf32>
                %add3A_293 = arith.constant 64 : i32
                %add3A_294 = arith.addi %mul3A_269, %add3A_293 : i32
                %get3A_295 = arith.index_cast %add3A_294 : i32 to index
                %get3A_296 = tpu.vector_load %arg5[%get3A_295] {strides = array<i32>} : memref<98304xf32, #tpu.memory_space<vmem>>, vector<16xf32>,
                %get3A_297 = vector.shape_cast %get3A_296 : vector<16xf32> to vector<16xf32>
                %max3A_298 = arith.maximumf %while3A_265, %get3A_297 : vector<16xf32>
                %add3A_299 = arith.constant 80 : i32
                %add3A_300 = arith.addi %mul3A_269, %add3A_299 : i32
                %get3A_301 = arith.index_cast %add3A_300 : i32 to index
                %get3A_302 = tpu.vector_load %arg5[%get3A_301] {strides = array<i32>} : memref<98304xf32, #tpu.memory_space<vmem>>, vector<16xf32>,
                %get3A_303 = vector.shape_cast %get3A_302 : vector<16xf32> to vector<16xf32>
                %max3A_304 = arith.maximumf %while3A_266, %get3A_303 : vector<16xf32>
                scf.yield %max3A, %max3A_280, %max3A_286, %max3A_292, %max3A_298, %max3A_304 : vector<16xf32>, vector<16xf32>, vector<16xf32>, vector<16xf32>, vector<16xf32>, vector<16xf32>
              }
              scf.yield %while3A_259#0, %while3A_259#1, %while3A_259#2, %while3A_259#3, %while3A_259#4, %while3A_259#5 : vector<16xf32>, vector<16xf32>, vector<16xf32>, vector<16xf32>, vector<16xf32>, vector<16xf32>
            }
            %while3A_189 = arith.constant 1 : i32
            %while3A_190:6 = scf.for %while3A_241 = %while3A_186 to %while3A_182 step %while3A_189 iter_args(%while3A_242 = %while3A_188#0, %while3A_243 = %while3A_188#1, %while3A_244 = %while3A_188#2, %while3A_245 = %while3A_188#3, %while3A_246 = %while3A_188#4, %while3A_247 = %while3A_188#5) -> (vector<16xf32>, vector<16xf32>, vector<16xf32>, vector<16xf32>, vector<16xf32>, vector<16xf32>)  : i32 {
              %mul3A_248 = arith.constant 32 : i32
              %mul3A_249 = arith.muli %while3A_241, %mul3A_248 : i32
              %while3A_250 = arith.subi %squeeze3A_143, %squeeze3A_141 : i32
              %while3A_251 = arith.addi %squeeze3A_141, %while3A_250 : i32
              %while3A_252 = arith.constant 1 : i32
              %while3A_253 = arith.divsi %while3A_250, %while3A_252 : i32
              %while3A_254 = arith.muli %while3A_253, %while3A_252 : i32
              %while3A_255 = arith.addi %squeeze3A_141, %while3A_254 : i32
              %while3A_256 = arith.constant 1 : i32
              %while3A_257:6 = scf.for %while3A_260 = %squeeze3A_141 to %while3A_255 step %while3A_256 iter_args(%while3A_261 = %while3A_242, %while3A_262 = %while3A_243, %while3A_263 = %while3A_244, %while3A_264 = %while3A_245, %while3A_265 = %while3A_246, %while3A_266 = %while3A_247) -> (vector<16xf32>, vector<16xf32>, vector<16xf32>, vector<16xf32>, vector<16xf32>, vector<16xf32>)  : i32 {
                %add3A_267 = arith.addi %mul3A_249, %while3A_260 : i32
                %mul3A_268 = arith.constant 96 : i32
                %mul3A_269 = arith.muli %add3A_267, %mul3A_268 : i32
                %add3A_270 = arith.constant 0 : i32
                %add3A_271 = arith.addi %mul3A_269, %add3A_270 : i32
                %get3A_272 = arith.index_cast %add3A_271 : i32 to index
                %get3A_273 = tpu.vector_load %arg5[%get3A_272] {strides = array<i32>} : memref<98304xf32, #tpu.memory_space<vmem>>, vector<16xf32>,
                %get3A_274 = vector.shape_cast %get3A_273 : vector<16xf32> to vector<16xf32>
                %max3A = arith.maximumf %while3A_261, %get3A_274 : vector<16xf32>
                %add3A_275 = arith.constant 16 : i32
                %add3A_276 = arith.addi %mul3A_269, %add3A_275 : i32
                %get3A_277 = arith.index_cast %add3A_276 : i32 to index
                %get3A_278 = tpu.vector_load %arg5[%get3A_277] {strides = array<i32>} : memref<98304xf32, #tpu.memory_space<vmem>>, vector<16xf32>,
                %get3A_279 = vector.shape_cast %get3A_278 : vector<16xf32> to vector<16xf32>
                %max3A_280 = arith.maximumf %while3A_262, %get3A_279 : vector<16xf32>
                %add3A_281 = arith.constant 32 : i32
                %add3A_282 = arith.addi %mul3A_269, %add3A_281 : i32
                %get3A_283 = arith.index_cast %add3A_282 : i32 to index
                %get3A_284 = tpu.vector_load %arg5[%get3A_283] {strides = array<i32>} : memref<98304xf32, #tpu.memory_space<vmem>>, vector<16xf32>,
                %get3A_285 = vector.shape_cast %get3A_284 : vector<16xf32> to vector<16xf32>
                %max3A_286 = arith.maximumf %while3A_263, %get3A_285 : vector<16xf32>
                %add3A_287 = arith.constant 48 : i32
                %add3A_288 = arith.addi %mul3A_269, %add3A_287 : i32
                %get3A_289 = arith.index_cast %add3A_288 : i32 to index
                %get3A_290 = tpu.vector_load %arg5[%get3A_289] {strides = array<i32>} : memref<98304xf32, #tpu.memory_space<vmem>>, vector<16xf32>,
                %get3A_291 = vector.shape_cast %get3A_290 : vector<16xf32> to vector<16xf32>
                %max3A_292 = arith.maximumf %while3A_264, %get3A_291 : vector<16xf32>
                %add3A_293 = arith.constant 64 : i32
                %add3A_294 = arith.addi %mul3A_269, %add3A_293 : i32
                %get3A_295 = arith.index_cast %add3A_294 : i32 to index
                %get3A_296 = tpu.vector_load %arg5[%get3A_295] {strides = array<i32>} : memref<98304xf32, #tpu.memory_space<vmem>>, vector<16xf32>,
                %get3A_297 = vector.shape_cast %get3A_296 : vector<16xf32> to vector<16xf32>
                %max3A_298 = arith.maximumf %while3A_265, %get3A_297 : vector<16xf32>
                %add3A_299 = arith.constant 80 : i32
                %add3A_300 = arith.addi %mul3A_269, %add3A_299 : i32
                %get3A_301 = arith.index_cast %add3A_300 : i32 to index
                %get3A_302 = tpu.vector_load %arg5[%get3A_301] {strides = array<i32>} : memref<98304xf32, #tpu.memory_space<vmem>>, vector<16xf32>,
                %get3A_303 = vector.shape_cast %get3A_302 : vector<16xf32> to vector<16xf32>
                %max3A_304 = arith.maximumf %while3A_266, %get3A_303 : vector<16xf32>
                scf.yield %max3A, %max3A_280, %max3A_286, %max3A_292, %max3A_298, %max3A_304 : vector<16xf32>, vector<16xf32>, vector<16xf32>, vector<16xf32>, vector<16xf32>, vector<16xf32>
              }
              %while3A_258 = arith.constant 1 : i32
              %while3A_259:6 = scf.for %while3A_260 = %while3A_255 to %while3A_251 step %while3A_258 iter_args(%while3A_261 = %while3A_257#0, %while3A_262 = %while3A_257#1, %while3A_263 = %while3A_257#2, %while3A_264 = %while3A_257#3, %while3A_265 = %while3A_257#4, %while3A_266 = %while3A_257#5) -> (vector<16xf32>, vector<16xf32>, vector<16xf32>, vector<16xf32>, vector<16xf32>, vector<16xf32>)  : i32 {
                %add3A_267 = arith.addi %mul3A_249, %while3A_260 : i32
                %mul3A_268 = arith.constant 96 : i32
                %mul3A_269 = arith.muli %add3A_267, %mul3A_268 : i32
                %add3A_270 = arith.constant 0 : i32
                %add3A_271 = arith.addi %mul3A_269, %add3A_270 : i32
                %get3A_272 = arith.index_cast %add3A_271 : i32 to index
                %get3A_273 = tpu.vector_load %arg5[%get3A_272] {strides = array<i32>} : memref<98304xf32, #tpu.memory_space<vmem>>, vector<16xf32>,
                %get3A_274 = vector.shape_cast %get3A_273 : vector<16xf32> to vector<16xf32>
                %max3A = arith.maximumf %while3A_261, %get3A_274 : vector<16xf32>
                %add3A_275 = arith.constant 16 : i32
                %add3A_276 = arith.addi %mul3A_269, %add3A_275 : i32
                %get3A_277 = arith.index_cast %add3A_276 : i32 to index
                %get3A_278 = tpu.vector_load %arg5[%get3A_277] {strides = array<i32>} : memref<98304xf32, #tpu.memory_space<vmem>>, vector<16xf32>,
                %get3A_279 = vector.shape_cast %get3A_278 : vector<16xf32> to vector<16xf32>
                %max3A_280 = arith.maximumf %while3A_262, %get3A_279 : vector<16xf32>
                %add3A_281 = arith.constant 32 : i32
                %add3A_282 = arith.addi %mul3A_269, %add3A_281 : i32
                %get3A_283 = arith.index_cast %add3A_282 : i32 to index
                %get3A_284 = tpu.vector_load %arg5[%get3A_283] {strides = array<i32>} : memref<98304xf32, #tpu.memory_space<vmem>>, vector<16xf32>,
                %get3A_285 = vector.shape_cast %get3A_284 : vector<16xf32> to vector<16xf32>
                %max3A_286 = arith.maximumf %while3A_263, %get3A_285 : vector<16xf32>
                %add3A_287 = arith.constant 48 : i32
                %add3A_288 = arith.addi %mul3A_269, %add3A_287 : i32
                %get3A_289 = arith.index_cast %add3A_288 : i32 to index
                %get3A_290 = tpu.vector_load %arg5[%get3A_289] {strides = array<i32>} : memref<98304xf32, #tpu.memory_space<vmem>>, vector<16xf32>,
                %get3A_291 = vector.shape_cast %get3A_290 : vector<16xf32> to vector<16xf32>
                %max3A_292 = arith.maximumf %while3A_264, %get3A_291 : vector<16xf32>
                %add3A_293 = arith.constant 64 : i32
                %add3A_294 = arith.addi %mul3A_269, %add3A_293 : i32
                %get3A_295 = arith.index_cast %add3A_294 : i32 to index
                %get3A_296 = tpu.vector_load %arg5[%get3A_295] {strides = array<i32>} : memref<98304xf32, #tpu.memory_space<vmem>>, vector<16xf32>,
                %get3A_297 = vector.shape_cast %get3A_296 : vector<16xf32> to vector<16xf32>
                %max3A_298 = arith.maximumf %while3A_265, %get3A_297 : vector<16xf32>
                %add3A_299 = arith.constant 80 : i32
                %add3A_300 = arith.addi %mul3A_269, %add3A_299 : i32
                %get3A_301 = arith.index_cast %add3A_300 : i32 to index
                %get3A_302 = tpu.vector_load %arg5[%get3A_301] {strides = array<i32>} : memref<98304xf32, #tpu.memory_space<vmem>>, vector<16xf32>,
                %get3A_303 = vector.shape_cast %get3A_302 : vector<16xf32> to vector<16xf32>
                %max3A_304 = arith.maximumf %while3A_266, %get3A_303 : vector<16xf32>
                scf.yield %max3A, %max3A_280, %max3A_286, %max3A_292, %max3A_298, %max3A_304 : vector<16xf32>, vector<16xf32>, vector<16xf32>, vector<16xf32>, vector<16xf32>, vector<16xf32>
              }
              scf.yield %while3A_259#0, %while3A_259#1, %while3A_259#2, %while3A_259#3, %while3A_259#4, %while3A_259#5 : vector<16xf32>, vector<16xf32>, vector<16xf32>, vector<16xf32>, vector<16xf32>, vector<16xf32>
            }
            %lt3A_191 = arith.cmpi slt, %squeeze3A, %squeeze3A_122 : i32
            %lt3A_192 = arith.cmpi slt, %squeeze3A_141, %squeeze3A_143 : i32
            %and3A_193 = arith.andi %lt3A_191, %lt3A_192 : i1
            %select_n3A_194 = arith.select %and3A_193, %while3A_190#0, %broadcast_in_dim3A_2 : vector<16xf32>
            %add3A_195 = arith.constant 0 : i32
            %add3A_196 = arith.addi %mul3A_148, %add3A_195 : i32
            %swap3A = arith.index_cast %select_n3A_75 : i32 to index
            %swap3A_197 = arith.index_cast %add3A_196 : i32 to index
            %swap3A_198 = tpu.vector_load %arg7[%swap3A, %swap3A_197] {strides = array<i32>} : memref<2x4704xf32, #tpu.memory_space<vmem>>, vector<1x16xf32>,
            %swap3A_199 = vector.shape_cast %swap3A_198 : vector<1x16xf32> to vector<16xf32>
            %swap3A_200 = vector.shape_cast %select_n3A_194 : vector<16xf32> to vector<1x16xf32>
            tpu.vector_store %arg7[%swap3A, %swap3A_197], %swap3A_200 {strides = array<i32>} : memref<2x4704xf32, #tpu.memory_space<vmem>>, vector<1x16xf32>,
            %select_n3A_201 = arith.select %and3A_193, %while3A_190#1, %broadcast_in_dim3A_2 : vector<16xf32>
            %add3A_202 = arith.constant 16 : i32
            %add3A_203 = arith.addi %mul3A_148, %add3A_202 : i32
            %swap3A_204 = arith.index_cast %select_n3A_75 : i32 to index
            %swap3A_205 = arith.index_cast %add3A_203 : i32 to index
            %swap3A_206 = tpu.vector_load %arg7[%swap3A_204, %swap3A_205] {strides = array<i32>} : memref<2x4704xf32, #tpu.memory_space<vmem>>, vector<1x16xf32>,
            %swap3A_207 = vector.shape_cast %swap3A_206 : vector<1x16xf32> to vector<16xf32>
            %swap3A_208 = vector.shape_cast %select_n3A_201 : vector<16xf32> to vector<1x16xf32>
            tpu.vector_store %arg7[%swap3A_204, %swap3A_205], %swap3A_208 {strides = array<i32>} : memref<2x4704xf32, #tpu.memory_space<vmem>>, vector<1x16xf32>,
            %select_n3A_209 = arith.select %and3A_193, %while3A_190#2, %broadcast_in_dim3A_2 : vector<16xf32>
            %add3A_210 = arith.constant 32 : i32
            %add3A_211 = arith.addi %mul3A_148, %add3A_210 : i32
            %swap3A_212 = arith.index_cast %select_n3A_75 : i32 to index
            %swap3A_213 = arith.index_cast %add3A_211 : i32 to index
            %swap3A_214 = tpu.vector_load %arg7[%swap3A_212, %swap3A_213] {strides = array<i32>} : memref<2x4704xf32, #tpu.memory_space<vmem>>, vector<1x16xf32>,
            %swap3A_215 = vector.shape_cast %swap3A_214 : vector<1x16xf32> to vector<16xf32>
            %swap3A_216 = vector.shape_cast %select_n3A_209 : vector<16xf32> to vector<1x16xf32>
            tpu.vector_store %arg7[%swap3A_212, %swap3A_213], %swap3A_216 {strides = array<i32>} : memref<2x4704xf32, #tpu.memory_space<vmem>>, vector<1x16xf32>,
            %select_n3A_217 = arith.select %and3A_193, %while3A_190#3, %broadcast_in_dim3A_2 : vector<16xf32>
            %add3A_218 = arith.constant 48 : i32
            %add3A_219 = arith.addi %mul3A_148, %add3A_218 : i32
            %swap3A_220 = arith.index_cast %select_n3A_75 : i32 to index
            %swap3A_221 = arith.index_cast %add3A_219 : i32 to index
            %swap3A_222 = tpu.vector_load %arg7[%swap3A_220, %swap3A_221] {strides = array<i32>} : memref<2x4704xf32, #tpu.memory_space<vmem>>, vector<1x16xf32>,
            %swap3A_223 = vector.shape_cast %swap3A_222 : vector<1x16xf32> to vector<16xf32>
            %swap3A_224 = vector.shape_cast %select_n3A_217 : vector<16xf32> to vector<1x16xf32>
            tpu.vector_store %arg7[%swap3A_220, %swap3A_221], %swap3A_224 {strides = array<i32>} : memref<2x4704xf32, #tpu.memory_space<vmem>>, vector<1x16xf32>,
            %select_n3A_225 = arith.select %and3A_193, %while3A_190#4, %broadcast_in_dim3A_2 : vector<16xf32>
            %add3A_226 = arith.constant 64 : i32
            %add3A_227 = arith.addi %mul3A_148, %add3A_226 : i32
            %swap3A_228 = arith.index_cast %select_n3A_75 : i32 to index
            %swap3A_229 = arith.index_cast %add3A_227 : i32 to index
            %swap3A_230 = tpu.vector_load %arg7[%swap3A_228, %swap3A_229] {strides = array<i32>} : memref<2x4704xf32, #tpu.memory_space<vmem>>, vector<1x16xf32>,
            %swap3A_231 = vector.shape_cast %swap3A_230 : vector<1x16xf32> to vector<16xf32>
            %swap3A_232 = vector.shape_cast %select_n3A_225 : vector<16xf32> to vector<1x16xf32>
            tpu.vector_store %arg7[%swap3A_228, %swap3A_229], %swap3A_232 {strides = array<i32>} : memref<2x4704xf32, #tpu.memory_space<vmem>>, vector<1x16xf32>,
            %select_n3A_233 = arith.select %and3A_193, %while3A_190#5, %broadcast_in_dim3A_2 : vector<16xf32>
            %add3A_234 = arith.constant 80 : i32
            %add3A_235 = arith.addi %mul3A_148, %add3A_234 : i32
            %swap3A_236 = arith.index_cast %select_n3A_75 : i32 to index
            %swap3A_237 = arith.index_cast %add3A_235 : i32 to index
            %swap3A_238 = tpu.vector_load %arg7[%swap3A_236, %swap3A_237] {strides = array<i32>} : memref<2x4704xf32, #tpu.memory_space<vmem>>, vector<1x16xf32>,
            %swap3A_239 = vector.shape_cast %swap3A_238 : vector<1x16xf32> to vector<16xf32>
            %swap3A_240 = vector.shape_cast %select_n3A_233 : vector<16xf32> to vector<1x16xf32>
            tpu.vector_store %arg7[%swap3A_236, %swap3A_237], %swap3A_240 {strides = array<i32>} : memref<2x4704xf32, #tpu.memory_space<vmem>>, vector<1x16xf32>,
          } else {
          }
          %lt3A_171 = arith.constant 0 : i32
          %lt3A_172 = vector.broadcast %lt3A_171 : i32 to vector<16xi32>
          %lt3A_173 = arith.cmpi slt, %select_n3A_19, %lt3A_172 : vector<16xi32>
          %add3A_174 = arith.constant 16 : i32
          %add3A_175 = vector.broadcast %add3A_174 : i32 to vector<16xi32>
          %add3A_176 = arith.addi %select_n3A_19, %add3A_175 : vector<16xi32>
          %select_n3A_177 = arith.select %lt3A_173, %add3A_176, %select_n3A_19 : vector<16xi1>, vector<16xi32>
          %broadcast_in_dim3A_178 = vector.shape_cast %select_n3A_177 : vector<16xi32> to vector<16x1xi32>
          %gather3A_179 = vector.shape_cast %broadcast_in_dim3A_178 : vector<16x1xi32> to vector<16xi32>
          %gather3A_180 = tpu.dynamic_gather %scan3A_139[%gather3A_179] in [0] : vector<16xi32>, vector<16xi32> -> vector<16xi32>
          scf.yield %gather3A_180 : vector<16xi32>
        }
        %scan3A_128 = arith.constant 7 : i32
        %lt3A_129 = arith.constant 0 : i32
        %lt3A_130 = vector.broadcast %lt3A_129 : i32 to vector<16xi32>
        %lt3A_131 = arith.cmpi slt, %select_n3A_19, %lt3A_130 : vector<16xi32>
        %add3A_132 = arith.constant 16 : i32
        %add3A_133 = vector.broadcast %add3A_132 : i32 to vector<16xi32>
        %add3A_134 = arith.addi %select_n3A_19, %add3A_133 : vector<16xi32>
        %select_n3A_135 = arith.select %lt3A_131, %add3A_134, %select_n3A_19 : vector<16xi1>, vector<16xi32>
        %broadcast_in_dim3A_136 = vector.shape_cast %select_n3A_135 : vector<16xi32> to vector<16x1xi32>
        %gather3A = vector.shape_cast %broadcast_in_dim3A_136 : vector<16x1xi32> to vector<16xi32>
        %gather3A_137 = tpu.dynamic_gather %scan3A_120[%gather3A] in [0] : vector<16xi32>, vector<16xi32> -> vector<16xi32>
        scf.yield %gather3A_137 : vector<16xi32>
      }
      %scan3A_110 = arith.constant 7 : i32
      %convert_element_type3A_111 = arith.extui %eq3A_77 : i1 to i32
      %cond3A_112 = arith.constant 0 : i32
      %cond3A_113 = arith.cmpi ne, %convert_element_type3A_111, %cond3A_112 : i32
      scf.if %cond3A_113 {
        %dma_start3A = arith.constant 0 : i32
        %dma_start3A_119 = arith.constant 0 : i32
        %dma_start3A_120 = tpu.memref_slice %arg7[%dma_start3A, %dma_start3A_119] : memref<2x4704xf32, #tpu.memory_space<vmem>> -> memref<1x4704xf32, #tpu.memory_space<vmem>>
        %dma_start3A_121 = tpu.memref_squeeze %dma_start3A_120 : memref<1x4704xf32, #tpu.memory_space<vmem>> -> memref<4704xf32, #tpu.memory_space<vmem>>
        %dma_start3A_122 = arith.constant 0 : i32
        %dma_start3A_123 = tpu.memref_slice %arg4[%add3A_80, %arg0, %dma_start3A_122] : memref<1000x2x4704xf32, #tpu.memory_space<hbm>> -> memref<1x1x4704xf32, #tpu.memory_space<hbm>>
        %dma_start3A_124 = tpu.memref_squeeze %dma_start3A_123 : memref<1x1x4704xf32, #tpu.memory_space<hbm>> -> memref<4704xf32, #tpu.memory_space<hbm>>
        %dma_start3A_125 = arith.constant 0 : i32
        %dma_start3A_126 = tpu.memref_slice %arg4[%add3A_80, %arg0, %dma_start3A_125] : memref<1000x2x4704xf32, #tpu.memory_space<hbm>> -> memref<1x1x4704xf32, #tpu.memory_space<hbm>>
        %dma_start3A_127 = tpu.memref_squeeze %dma_start3A_126 : memref<1x1x4704xf32, #tpu.memory_space<hbm>> -> memref<4704xf32, #tpu.memory_space<hbm>>
        %dma_start3A_128 = arith.constant 0 : i32
        %dma_start3A_129 = tpu.memref_slice %arg7[%dma_start3A, %dma_start3A_128] : memref<2x4704xf32, #tpu.memory_space<vmem>> -> memref<1x4704xf32, #tpu.memory_space<vmem>>
        %dma_start3A_130 = tpu.memref_squeeze %dma_start3A_129 : memref<1x4704xf32, #tpu.memory_space<vmem>> -> memref<4704xf32, #tpu.memory_space<vmem>>
        tpu.enqueue_dma source(%dma_start3A_130 : memref<4704xf32, #tpu.memory_space<vmem>>) target(%dma_start3A_127 : memref<4704xf32, #tpu.memory_space<hbm>>) target_semaphore(%arg8 : memref<!tpu.dma_semaphore, #tpu.memory_space<semaphore_mem>>)
      } else {
      }
      %not3A_114 = arith.constant true
      %not3A_115 = arith.xori %eq3A_77, %not3A_114 : i1
      %convert_element_type3A_116 = arith.extui %not3A_115 : i1 to i32
      %cond3A_117 = arith.constant 0 : i32
      %cond3A_118 = arith.cmpi ne, %convert_element_type3A_116, %cond3A_117 : i32
      scf.if %cond3A_118 {
        %dma_start3A = arith.constant 1 : i32
        %dma_start3A_119 = arith.constant 0 : i32
        %dma_start3A_120 = tpu.memref_slice %arg7[%dma_start3A, %dma_start3A_119] : memref<2x4704xf32, #tpu.memory_space<vmem>> -> memref<1x4704xf32, #tpu.memory_space<vmem>>
        %dma_start3A_121 = tpu.memref_squeeze %dma_start3A_120 : memref<1x4704xf32, #tpu.memory_space<vmem>> -> memref<4704xf32, #tpu.memory_space<vmem>>
        %dma_start3A_122 = arith.constant 0 : i32
        %dma_start3A_123 = tpu.memref_slice %arg4[%add3A_80, %arg0, %dma_start3A_122] : memref<1000x2x4704xf32, #tpu.memory_space<hbm>> -> memref<1x1x4704xf32, #tpu.memory_space<hbm>>
        %dma_start3A_124 = tpu.memref_squeeze %dma_start3A_123 : memref<1x1x4704xf32, #tpu.memory_space<hbm>> -> memref<4704xf32, #tpu.memory_space<hbm>>
        %dma_start3A_125 = arith.constant 0 : i32
        %dma_start3A_126 = tpu.memref_slice %arg4[%add3A_80, %arg0, %dma_start3A_125] : memref<1000x2x4704xf32, #tpu.memory_space<hbm>> -> memref<1x1x4704xf32, #tpu.memory_space<hbm>>
        %dma_start3A_127 = tpu.memref_squeeze %dma_start3A_126 : memref<1x1x4704xf32, #tpu.memory_space<hbm>> -> memref<4704xf32, #tpu.memory_space<hbm>>
        %dma_start3A_128 = arith.constant 0 : i32
        %dma_start3A_129 = tpu.memref_slice %arg7[%dma_start3A, %dma_start3A_128] : memref<2x4704xf32, #tpu.memory_space<vmem>> -> memref<1x4704xf32, #tpu.memory_space<vmem>>
        %dma_start3A_130 = tpu.memref_squeeze %dma_start3A_129 : memref<1x4704xf32, #tpu.memory_space<vmem>> -> memref<4704xf32, #tpu.memory_space<vmem>>
        tpu.enqueue_dma source(%dma_start3A_130 : memref<4704xf32, #tpu.memory_space<vmem>>) target(%dma_start3A_127 : memref<4704xf32, #tpu.memory_space<hbm>>) target_semaphore(%arg9 : memref<!tpu.dma_semaphore, #tpu.memory_space<semaphore_mem>>)
      } else {
      }
    }
    %mul3A_32 = arith.constant 64 : i32
    %mul3A_33 = arith.muli %arg1, %mul3A_32 : i32
    %dma_wait3A = arith.constant 0 : i32
    %dma_wait3A_34 = arith.constant 0 : i32
    %dma_wait3A_35 = tpu.memref_slice %arg7[%dma_wait3A, %dma_wait3A_34] : memref<2x4704xf32, #tpu.memory_space<vmem>> -> memref<1x4704xf32, #tpu.memory_space<vmem>>
    %dma_wait3A_36 = tpu.memref_squeeze %dma_wait3A_35 : memref<1x4704xf32, #tpu.memory_space<vmem>> -> memref<4704xf32, #tpu.memory_space<vmem>>
    %dma_wait3A_37 = arith.constant 0 : i32
    %dma_wait3A_38 = tpu.memref_slice %arg4[%mul3A_33, %arg0, %dma_wait3A_37] : memref<1000x2x4704xf32, #tpu.memory_space<hbm>> -> memref<1x1x4704xf32, #tpu.memory_space<hbm>>
    %dma_wait3A_39 = tpu.memref_squeeze %dma_wait3A_38 : memref<1x1x4704xf32, #tpu.memory_space<hbm>> -> memref<4704xf32, #tpu.memory_space<hbm>>
    %dma_wait3A_40 = arith.constant 0 : i32
    %dma_wait3A_41 = tpu.memref_slice %arg4[%mul3A_33, %arg0, %dma_wait3A_40] : memref<1000x2x4704xf32, #tpu.memory_space<hbm>> -> memref<1x1x4704xf32, #tpu.memory_space<hbm>>
    %dma_wait3A_42 = tpu.memref_squeeze %dma_wait3A_41 : memref<1x1x4704xf32, #tpu.memory_space<hbm>> -> memref<4704xf32, #tpu.memory_space<hbm>>
    %dma_wait3A_43 = arith.constant 0 : i32
    %dma_wait3A_44 = tpu.memref_slice %arg7[%dma_wait3A, %dma_wait3A_43] : memref<2x4704xf32, #tpu.memory_space<vmem>> -> memref<1x4704xf32, #tpu.memory_space<vmem>>
    %dma_wait3A_45 = tpu.memref_squeeze %dma_wait3A_44 : memref<1x4704xf32, #tpu.memory_space<vmem>> -> memref<4704xf32, #tpu.memory_space<vmem>>
    tpu.wait_dma2 semaphore(%arg8 : memref<!tpu.dma_semaphore, #tpu.memory_space<semaphore_mem>>) src(%dma_wait3A_45 : memref<4704xf32, #tpu.memory_space<vmem>>) dst(%dma_wait3A_42 : memref<4704xf32, #tpu.memory_space<hbm>>)
    %dma_wait3A_46 = arith.constant 1 : i32
    %dma_wait3A_47 = arith.constant 0 : i32
    %dma_wait3A_48 = tpu.memref_slice %arg7[%dma_wait3A_46, %dma_wait3A_47] : memref<2x4704xf32, #tpu.memory_space<vmem>> -> memref<1x4704xf32, #tpu.memory_space<vmem>>
    %dma_wait3A_49 = tpu.memref_squeeze %dma_wait3A_48 : memref<1x4704xf32, #tpu.memory_space<vmem>> -> memref<4704xf32, #tpu.memory_space<vmem>>
    %dma_wait3A_50 = arith.constant 0 : i32
    %dma_wait3A_51 = tpu.memref_slice %arg4[%mul3A_33, %arg0, %dma_wait3A_50] : memref<1000x2x4704xf32, #tpu.memory_space<hbm>> -> memref<1x1x4704xf32, #tpu.memory_space<hbm>>
    %dma_wait3A_52 = tpu.memref_squeeze %dma_wait3A_51 : memref<1x1x4704xf32, #tpu.memory_space<hbm>> -> memref<4704xf32, #tpu.memory_space<hbm>>
    %dma_wait3A_53 = arith.constant 0 : i32
    %dma_wait3A_54 = tpu.memref_slice %arg4[%mul3A_33, %arg0, %dma_wait3A_53] : memref<1000x2x4704xf32, #tpu.memory_space<hbm>> -> memref<1x1x4704xf32, #tpu.memory_space<hbm>>
    %dma_wait3A_55 = tpu.memref_squeeze %dma_wait3A_54 : memref<1x1x4704xf32, #tpu.memory_space<hbm>> -> memref<4704xf32, #tpu.memory_space<hbm>>
    %dma_wait3A_56 = arith.constant 0 : i32
    %dma_wait3A_57 = tpu.memref_slice %arg7[%dma_wait3A_46, %dma_wait3A_56] : memref<2x4704xf32, #tpu.memory_space<vmem>> -> memref<1x4704xf32, #tpu.memory_space<vmem>>
    %dma_wait3A_58 = tpu.memref_squeeze %dma_wait3A_57 : memref<1x4704xf32, #tpu.memory_space<vmem>> -> memref<4704xf32, #tpu.memory_space<vmem>>
    tpu.wait_dma2 semaphore(%arg9 : memref<!tpu.dma_semaphore, #tpu.memory_space<semaphore_mem>>) src(%dma_wait3A_58 : memref<4704xf32, #tpu.memory_space<vmem>>) dst(%dma_wait3A_55 : memref<4704xf32, #tpu.memory_space<hbm>>)
    return
  }
}

</mosaic_0001>

<sc_bundles>
// kernel: kernel.3.cloned.1.call-start
scs
__scs_entry_jumppad:
0x0: {  	(pc) =	sbr.rel $0x88, $3  }
0x1: {  	(tag) =	ssettag $0x0;
	lr =	simm.s32 $0x1  }
0x2: {  	[smem:$0x3F9E] =	sst lr;
	_ =	strace $0xD0000000  }
0x3: {  	_ = 	snop  }
0x4: {  	_ = 	snop  }
0x5: {  	_ = 	snop  }
0x6: {  	_ = 	snop  }
0x7: {  	_ = 	snop  }
__scs_overlays_trampoline_lowered:
0x8: {  	[smem:$0x3FAD] =	sst s0  }
0x9: {  	[smem:$0x3FAE] =	sst s1  }
0xa: {  	[smem:$0x3FAF] =	sst s2  }
0xb: {  	[smem:$0x3FB0] =	sst s3  }
0xc: {  	[smem:$0x3FB1] =	sst s4  }
0xd: {  	[smem:$0x3FB2] =	sst s5  }
0xe: {  	[smem:$0x3FB3] =	sst s6  }
0xf: {  	[smem:$0x3FB4] =	sst s7  }
0x10: {  	[smem:$0x3FB5] =	sst s8  }
0x11: {  	[smem:$0x3FB6] =	sst s9;
	s0 =	simm.s32 @!p0 $0x0  }
0x12: {  	s1 =	sld [smem:$0x3F9C];
	s0 =	simm.s32 @p0 $0x1  }
0x13: {  	[smem:$0x3FB7] =	sst s0;
	s0 =	simm.s32 @!p1 $0x0  }
0x14: {  	s2 =	sld [smem:$0x3F9B];
	s0 =	simm.s32 @p1 $0x1  }
0x15: {  	[smem:$0x3FB8] =	sst s0;
	s0 =	simm.s32 @!p2 $0x0  }
0x16: {  	s3 =	sld [smem:$0x3FDB];
	s0 =	simm.s32 @p2 $0x1  }
0x17: {  	s4 =	simm.s32 $0x1BF5;
	[smem:$0x3FBA] =	sst s0  }
0x18: {  	s0 =	sld [smem:$0x3F9D];
	_ =	swait.ge [sflag:s4], $0x0  }
0x19: {  	s7 =	sld [smem:$0x3F9E]  }
0x1a: {  	s8 =	sadd.s32 $0xFFFFE003, lr  }
0x1b: {  	s9 =	sadd.s32 $0xFFFFFEF7, lr;
	s5 =	simm.s32 $0xFFFFFFFF;
	p2 =	slt.u32 s8, $0xFFFFF086  }
0x1c: {  	p1 =	slt.u32 s9, $0xF7A;
	s5 =	simm.s32 @!p2 $0x0  }
0x1d: {  	s5 =	simm.s32 @p1 $0x1;
	p0 =	seq.s32 s7, s2  }
0x1e: {  	s7 =	smul.u32 @!p0 $0xF7A, s2;
	p2 =	seq.s32 @!p0 s5, $0x0  }
0x1f: {  	s9 =	smul.u32 $0xF7A, s1;
	s8 =	simm.s32 @!p0 $0x1BF5;
	p2 =	por !p2, p0  }
0x20: {  	[sflag:s8] =	ssyncset.s32 @!p0 $0xFFFFF086;
	s6 =	sadd.s32 @!p0 s3, s7;
	s7 =	simm.s32 @!p0 $0x108  }
0x21: {  	s3 =	sadd.s32 s3, s9;
	s6 =	sadd.s32 @!p0 $0x88, s6;
	s7 =	simm.s32 @p2 $0x1082  }
0x22: {  	[simem:s7], [sflag:s8] =	dma.local @!p0 [hbm:s6], $0xF7A  }
0x23: {  	s9 =	sor.u32 $0xD0000000, s2;
	s6 =	simm.s32 $0x108;
	_ =	swait.ge @!p0 [sflag:s8], $0x0  }
0x24: {  	s3 =	sadd.s32 $0x88, s3;
	s6 =	simm.s32 @!p1 $0x1082;
	[sflag:s4] =	ssyncset.s32 $0xFFFFF086  }
0x25: {  	[simem:s6], [sflag:s4] =	dma.local [hbm:s3], $0xF7A  }
0x26: {  	[smem:$0x3F9E] =	sst s1;
	(tag) =	ssettag s2;
	_ =	strace s9  }
0x27: {  	s1 =	sld [smem:$0x3FAE]  }
0x28: {  	s2 =	sld [smem:$0x3FAF]  }
0x29: {  	s4 =	sld [smem:$0x3FB1]  }
0x2a: {  	p0 =	seq.s32 s5, $0x0;
	s5 =	sld [smem:$0x3FB2]  }
0x2b: {  	s6 =	sld [smem:$0x3FB3]  }
0x2c: {  	s7 =	sld [smem:$0x3FB4]  }
0x2d: {  	s3 =	simm.s32 $0x108;
	s8 =	sld [smem:$0x3FB5]  }
0x2e: {  	s3 =	simm.s32 @!p0 $0x1082;
	s9 =	sld [smem:$0x3FB6]  }
0x2f: {  	lr =	sadd.s32 s0, s3;
	s0 =	sld [smem:$0x3FAD]  }
0x30: {  	s3 =	sld [smem:$0x3FB0]  }
0x31: {  	[smem:$0x3FB9] =	sst s10  }
0x32: {  	s10 =	sld [smem:$0x3FB7];
	_ =	sdelay $0x3  }
0x33: {  	p0 =	seq.s32 s10, $0x1;
	s10 =	sld [smem:$0x3FB9];
	_ =	sdelay $0x3  }
0x34: {  	[smem:$0x3FB9] =	sst s10  }
0x35: {  	s10 =	sld [smem:$0x3FB8];
	_ =	sdelay $0x3  }
0x36: {  	p1 =	seq.s32 s10, $0x1;
	s10 =	sld [smem:$0x3FB9];
	_ =	sdelay $0x3  }
0x37: {  	[smem:$0x3FB9] =	sst s10  }
0x38: {  	s10 =	sld [smem:$0x3FBA]  }
0x39: {  	_ = 	snop;
	(pc) =	sbr.ind lr, $3  }
0x3a: {  	_ = 	snop  }
0x3b: {  	_ = 	snop  }
0x3c: {  	p2 =	seq.s32 s10, $0x1;
	s10 =	sld [smem:$0x3FB9]  }
0x3d: {  	_ =	shalt  }
0x3e: {  	_ =	shalt  }
0x3f: {  	_ =	shalt  }
0x40: {  	_ =	shalt  }
0x41: {  	_ =	shalt  }
0x42: {  	_ =	shalt  }
0x43: {  	_ =	shalt  }
0x44: {  	_ =	shalt  }
0x45: {  	_ =	shalt  }
0x46: {  	_ =	shalt  }
0x47: {  	_ =	shalt  }
0x48: {  	_ =	shalt  }
0x49: {  	_ =	shalt  }
0x4a: {  	_ =	shalt  }
0x4b: {  	_ =	shalt  }
0x4c: {  	_ =	shalt  }
0x4d: {  	_ =	shalt  }
0x4e: {  	_ =	shalt  }
0x4f: {  	_ =	shalt  }
0x50: {  	_ =	shalt  }
0x51: {  	_ =	shalt  }
0x52: {  	_ =	shalt  }
0x53: {  	_ =	shalt  }
0x54: {  	_ =	shalt  }
0x55: {  	_ =	shalt  }
0x56: {  	_ =	shalt  }
0x57: {  	_ =	shalt  }
0x58: {  	_ =	shalt  }
0x59: {  	_ =	shalt  }
0x5a: {  	_ =	shalt  }
0x5b: {  	_ =	shalt  }
0x5c: {  	_ =	shalt  }
0x5d: {  	_ =	shalt  }
0x5e: {  	_ =	shalt  }
0x5f: {  	_ =	shalt  }
0x60: {  	_ =	shalt  }
0x61: {  	_ =	shalt  }
0x62: {  	_ =	shalt  }
0x63: {  	_ =	shalt  }
0x64: {  	_ =	shalt  }
0x65: {  	_ =	shalt  }
0x66: {  	_ =	shalt  }
0x67: {  	_ =	shalt  }
0x68: {  	_ =	shalt  }
0x69: {  	_ =	shalt  }
0x6a: {  	_ =	shalt  }
0x6b: {  	_ =	shalt  }
0x6c: {  	_ =	shalt  }
0x6d: {  	_ =	shalt  }
0x6e: {  	_ =	shalt  }
0x6f: {  	_ =	shalt  }
0x70: {  	_ =	shalt  }
0x71: {  	_ =	shalt  }
0x72: {  	_ =	shalt  }
0x73: {  	_ =	shalt  }
0x74: {  	_ =	shalt  }
0x75: {  	_ =	shalt  }
0x76: {  	_ =	shalt  }
0x77: {  	_ =	shalt  }
0x78: {  	_ =	shalt  }
0x79: {  	_ =	shalt  }
0x7a: {  	_ =	shalt  }
0x7b: {  	_ =	shalt  }
0x7c: {  	_ =	shalt  }
0x7d: {  	_ =	shalt  }
0x7e: {  	_ =	shalt  }
0x7f: {  	_ =	shalt  }
0x80: {  	_ =	shalt  }
0x81: {  	_ =	shalt  }
0x82: {  	_ =	shalt  }
0x83: {  	_ =	shalt  }
0x84: {  	_ =	shalt  }
0x85: {  	_ =	shalt  }
0x86: {  	_ =	shalt  }
0x87: {  	_ =	shalt  }
.Lfunc_end0:
.L_simem_size_0:
called_computation.1_lowered:
.L_overlay_start_0:
0x88: {  	s2 =	sld [smem:$0x3FD9]  }
0x89: {  	s3 =	sld [smem:$0x3FFE];
	_ =	sdelay $0x1  }
0x8a: {  	s1 =	srdreg.scid  }
0x8b: {  	s0 =	sand.u32 $0x1, s1  }
0x8c: {  	s17 =	sshll.u32 s0, $0xA;
	s2 =	sadd.s32 s3, s2  }
0x8d: {  	s2 =	sadd.s32 s2, s17  }
0x8e: {  	[smem:$0x3FC5] =	sst s2  }
0x8f: {  	_ = 	snop  }
0x90: {  	s2 =	sld [smem:$0x3FD0];
	(tm) =	ssettm $0x1  }
0x91: {  	s18 =	sld [smem:$0x3FFB];
	_ =	sdelay $0x3  }
0x92: {  	_ =	strace s18  }
0x93: {  	s3 =	sld [smem:$0x3FFC];
	_ =	sdelay $0x3  }
0x94: {  	_ =	strace s3  }
0x95: {  	s3 =	sld [smem:$0x3FFD];
	_ =	sdelay $0x3  }
0x96: {  	_ =	strace s3  }
0x97: {  	_ =	strace $0x8FFFFFFF  }
0x98: {  	s19 =	sld [smem:$0x3FDB];
	_ =	sdelay $0x1  }
0x99: {  	s4 =	simm.s32 $_scs_section_size  }
0x9a: {  	s5 =	simm.s32 $_size__tile_overlayer_lowered;
	s6 =	simm.s32 $_tile_overlayer_lowered  }
0x9b: {  	s22 =	simm.s32 $0x1BFF;
	s21 =	sshll.u32 s6, $0x1;
	s3 =	sadd.s32 s4, s19  }
0x9c: {  	s7 =	simm.s32 $0x0;
	s20 =	sshll.u32 s5, $0x1;
	s5 =	sadd.s32 s21, s3  }
0x9d: {  	[timem:s7], [sflag:s22] =	dma.local [hbm:s5], s20  }
0x9e: {  	_ =	swait.ge [sflag:s22], s20  }
0x9f: {  	s4 =	ssub.s32 $0x0, s20;
	[sflag:s22] =	ssyncset.done $0x0  }
0xa0: {  	[sflag:s22] =	ssyncadd.s32 s4;
	_ =	sdelay $0x1  }
0xa1: {  	s23 =	simm.s32 $0x1B8B  }
0xa2: {  	_ =	swait.ge [sflag:s23], $0x1  }
0xa3: {  	[sflag:s23] =	ssyncset.done $0x0  }
0xa4: {  	s25 =	simm.s32 $0x1B8E;
	s24 =	sld [smem:$0x3FFE];
	[sflag:s23] =	ssyncadd.s32 $0xFFFFFFFF  }
0xa5: {  	s26 =	simm.s32 $execute0_lowered;
	[smem:$0x3FD2] =	sst s25  }
0xa6: {  	s5 =	sshll.u32 s26, $0x1;
	_ =	strace $0x80000046;
	[dreg:$0x1] =	wrdreg $0xFFFFFFFF  }
0xa7: {  	s28 =	simm.s32 $_size_execute0_lowered;
	s3 =	sadd.s32 s3, s5;
	[dreg:$0x0] =	wrdreg $0x0  }
0xa8: {  	s5 =	sshll.u32 s28, $0x1;
	[dreg:$0x2] =	wrdreg s3  }
0xa9: {  	[dreg:$0x3] =	wrdreg s5  }
0xaa: {  	[dreg:$0x4] =	wrdreg $0xC0  }
0xab: {  	_ =	task [dreg:s7], $0x5FFFF  }
0xac: {  	[dreg:$0x1] =	wrdreg $0xFFFFFFFF  }
0xad: {  	[dreg:$0x0] =	wrdreg $0x60  }
0xae: {  	[dreg:$0x2] =	wrdreg s24  }
0xaf: {  	[dreg:$0x3] =	wrdreg s2  }
0xb0: {  	[dreg:$0x4] =	wrdreg $0x9  }
0xb1: {  	_ =	task.clear_ibuf [dreg:s7], $0x5FFFF;
	_ =	strace $0x90000046  }
0xb2: {  	s29 =	simm.s32 $0x9;
	_ =	strace $0x80000048  }
0xb3: {  	_ =	swait.ge [sflag:s29], $0x1  }
0xb4: {  	[sflag:s29] =	ssyncadd.s32 $0xFFFFFFFF  }
0xb5: {  	_ =	strace $0x90000048  }
0xb6: {  	_ =	sfence  }
0xb7: {  	s30 =	sld [smem:$0x0];
	_ =	sdelay $0x2  }
0xb8: {  	s31 =	sshll.u32 s1, $0xD;
	s1 =	sshrl.u32 s1, $0x2  }
0xb9: {  	s3 =	sand.u32 $0x4000, s31;
	s1 =	sadd.s32 s1, s30  }
0xba: {  	s0 =	sor.u32 s3, s0;
	s1 =	sshll.u32 s1, $0x11  }
0xbb: {  	s0 =	sor.u32 s1, s0  }
0xbc: {  	s0 =	sadd.s32 $0x8F2B, s0  }
0xbd: {  	[sflag:s0] =	ssyncadd.remote.s32 $0x1  }
0xbe: {  	_ =	sfence.sel $0xFFFF  }
0xbf: {  	[dreg:$0x0] =	wrdreg $0xFFFFFFFF;
	(pc) =	sbr.abs _section_cstart, $3  }
0xc0: {  	[dreg:$0x1] =	wrdreg $0xFFFFFFFF  }
0xc1: {  	_ =	task.clear_ibuf [dreg:s7], $0x2FFFF;
	_ =	strace $0x9FFFFFFF  }
0xc2: {  	(tm) =	ssettm $0x7FFFFFFF  }
0xc3: {  	_ =	shalt  }
tec
execute0_lowered:
.L_overlay_start_1:
0x0: {  	(tag) =	ssettag $0x1  }
0x1: {  	s0 =	rddreg [dreg:$0x0]  }
0x2: {  	s1 =	rddreg [dreg:$0x1];
	s3 =	simm.s32 $0x0;
	s2 =	srdreg.scid  }
0x3: {  	s8 =	stileid.u32;
	s12 =	simm.s32 $0x3;
	s15 =	simm.s32 $0x1  }
0x4: {  	s16 =	simm.s32 $0x2;
	s17 =	simm.s32 $0x0;
	[smem:$0x7FF] =	sst s3  }
0x5: {  	s2 =	sand.u32 $0x1, s2;
	s5 =	sshll.u32 s8, $0x4;
	s7 =	sshll.u32 s8, $0x8  }
0x6: {  	_ =	strace $0x80000047;
	s4 =	sshll.u32 s2, $0x4;
	s26 =	sand.u32 $0x70, s5  }
0x7: {  	v0 =	vimm.s32 $0xFEDCBA9;
	v1 =	vimm.s32 $0x87654321;
	s28 =	ssub.s32 $0x2, s2;
	s7 =	sand.u32 $0x800, s7;
	s6 =	sadd.s32 s4, s0  }
.Ltmp0:
0x8: {  	v0 =	vunpack.c.l.s4.s8 v0;
	v1 =	vunpack.c.l.s4.s8 v1;
	s0 =	sadd.s32 s26, s0;
	s29 =	sshrl.u32 s28, $0x1;
	(pc) =	sbr.rel .LBB2_1-.Ltmp0, $4  }
0x9: {  	s4 =	sshll.u32 s8, $0x6;
	s0 =	sadd.s32 s7, s0;
	s6 =	sadd.s32 $0x2000, s6  }
0xa: {  	v0 =	vunpack.c.0.s8.s32 v0;
	v1 =	vunpack.c.0.s8.s32 v1;
	s9 =	ssub.s32 s28, s29;
	[dreg:$0x3] =	wrdreg s6;
	s0 =	sadd.s32 $0x1000, s0  }
0xb: {  	s30 =	sxor.u32 $0x3E8, s4;
	s31 =	smax.u32 s9, $0x1;
	[dreg:$0x4] =	wrdreg s0  }
0xc: {  	s5 =	sshll.u32 s2, $0x7;
	s8 =	smin.u32 s30, $0x40;
	v0 =	vcombine.low v1, v0;
	[dreg:$0x5] =	wrdreg s31  }
.LBB2_24:
0xd: {  	_ =	swait.ge [sflag:s15], $0x1280  }
0xe: {  	[sflag:s15] =	ssyncset.done $0x0  }
0xf: {  	[sflag:s15] =	ssyncadd.s32 $0xFFFFED80  }
0x10: {  	_ =	swait.ge [sflag:s16], $0x1280  }
0x11: {  	s17 =	sadd.s32 $0x1, s17;
	s0 =	rddreg [dreg:$0x5]  }
0x12: {  	p0 =	sne.s32 s17, s0  }
.Ltmp1:
0x13: {  	_ = 	snop;
	(pc) =	sbr.rel @!p0 .LBB2_25-.Ltmp1, $3  }
0x14: {  	_ =	sdelay $0x1  }
0x15: {  	[sflag:s16] =	ssyncset.done $0x0  }
0x16: {  	[sflag:s16] =	ssyncadd.s32 $0xFFFFED80  }
.LBB2_1:
0x17: {  	s0 =	rddreg [dreg:$0x3];
	s2 =	simm.s32 $0x80;
	s6 =	simm.s32 $0x100  }
0x18: {  	[tilespmem:s3], [sflag:$0x3] =	stream.strided.gather [hbm4b:s0+s2], $0x18000, s6, s2, $0x38;
	[tilespmem:$0x1AD00] =	vst v63  }
0x19: {  	_ =	swait.ge [sflag:s12], $0x18000  }
0x1a: {  	s31 =	simm.s32 $0x400;
	s7 =	simm.s32 $0x18000;
	[sflag:s12] =	ssyncset.done $0x0  }
.Ltmp2:
0x1b: {  	s30 =	rddreg [dreg:$0x4];
	[sflag:s12] =	ssyncadd.s32 $0xFFFE8000;
	(pc) =	sbr.rel .LBB2_2-.Ltmp2, $4  }
0x1c: {  	[tilespmem:s7], [sflag:$0x3] =	stream.strided.gather [hbm4b:s30+s2], $0x800, s31, s2, $0x38;
	[tilespmem:$0x1AD00] =	vst v63  }
0x1d: {  	_ =	swait.ge [sflag:s12], $0x800  }
0x1e: {  	[sflag:s12] =	ssyncset.done $0x0  }
0x1f: {  	s18 =	simm.s32 $0x0;
	[sflag:s12] =	ssyncadd.s32 $0xFFFFF800  }
.LBB2_23:
0x20: {  	s18 =	sadd.s32 $0x1, s18  }
0x21: {  	p0 =	sne.s32 s18, s8  }
.Ltmp3:
0x22: {  	_ = 	snop;
	(pc) =	sbr.rel @!p0 .LBB2_24-.Ltmp3, $1  }
0x23: {  	_ =	sdelay $0x3  }
.LBB2_2:
0x24: {  	s19 =	sand.u32 $0x1, s18;
	p1 =	slt.u32 s18, $0x2  }
0x25: {  	p0 =	sne.s32 @!p1 s19, $0x0  }
0x26: {  	p2 =	por p0, p1  }
0x27: {  	s0 =	simm.s32 @!p2 $0x1  }
0x28: {  	p0 =	seq.s32 s19, $0x1;
	_ =	swait.ge @!p2 [sflag:s0], $0x1280  }
0x29: {  	p1 =	por !p0, p1;
	[sflag:s0] =	ssyncset.done @!p2 $0x0  }
0x2a: {  	[sflag:s0] =	ssyncadd.s32 @!p2 $0xFFFFED80;
	s0 =	simm.s32 @!p1 $0x2  }
.Ltmp4:
0x2b: {  	_ =	swait.ge @!p1 [sflag:s0], $0x1280;
	(pc) =	sbr.rel .LBB2_3-.Ltmp4, $4  }
0x2c: {  	s2 =	sshll.u32 s18, $0x7;
	[sflag:s0] =	ssyncset.done @!p1 $0x0  }
0x2d: {  	s31 =	sshra.s32 s2, $0x2;
	[sflag:s0] =	ssyncadd.s32 @!p1 $0xFFFFED80  }
0x2e: {  	s21 =	sshll.u32 s19, $0x7;
	v1 =	vld [tilespmem:s31+$0x18000]  }
0x2f: {  	s20 =	sadd.s32 s4, s18;
	s22 =	simm.s32 $0x0;
	v3 =	vmov s21;
	v2 =	vld [tilespmem:s31+$0x18010]  }
.LBB2_14:
0x30: {  	s22 =	sadd.s32 $0x1, s22  }
0x31: {  	p1 =	sne.s32 s22, $0x7  }
.Ltmp5:
0x32: {  	_ = 	snop;
	(pc) =	sbr.rel @!p1 .LBB2_15-.Ltmp5, $2  }
0x33: {  	_ =	sdelay $0x2  }
0x34: {  	v1 =	vperm.xlane v1, v0  }
.LBB2_3:
0x35: {  	_ =	sdelay $0x2  }
0x36: {  	(v2sf) =	vpush v1, $0x0  }
0x37: {  	(v2sf) =	vpush v1, $0x7;
	_ =	sdelay $0xc  }
0x38: {  	s25 =	smul.u32 $0x7, s22  }
.Ltmp6:
0x39: {  	s6 =	spop (v2sf);
	(pc) =	sbr.rel .LBB2_4-.Ltmp6, $4  }
0x3a: {  	s0 =	smul.u32 $0x3000, s6;
	s24 =	spop (v2sf)  }
0x3b: {  	s31 =	simm.s32 $0x0;
	s28 =	sshll.u32 s6, $0x5;
	s26 =	ssub.s32 s6, s24  }
0x3c: {  	s2 =	sshll.u32 s24, $0x5;
	p1 =	sge.s32 s6, s24;
	s0 =	sshra.s32 s0, $0x2  }
0x3d: {  	v4 =	vmov v2;
	p2 =	slt.s32 s6, s24;
	s29 =	sadd.s32 $0xFFFFFFE0, s2;
	s30 =	sor.u32 $0x30, s0  }
.LBB2_12:
0x3e: {  	s2 =	smul.u32 $0xC0, s2;
	s7 =	sand.u32 $0x60, s0  }
0x3f: {  	p3 =	slt.s32 s11, s13;
	s9 =	sadd.s32 $0x20, s0;
	s23 =	sadd.s32 $0x30, s0  }
0x40: {  	s13 =	sadd.s32 $0x40, s0;
	p3 =	por !p2, !p3;
	s2 =	sand.u32 $0x7F00, s2  }
0x41: {  	s10 =	sshll.u32 s9, $0x1;
	p3 =	por !p3, !p3;
	s2 =	sor.u32 s7, s2  }
0x42: {  	s9 =	sand.u32 $0x60, s9;
	s10 =	sand.u32 $0x7FFFFF00, s10;
	v10 =	vpsel !p3, $0x0, v10;
	s7 =	sadd.s32 s21, s2  }
0x43: {  	v9 =	vpsel !p3, $0x0, v9;
	[tilespmem:v3+s2+$0x18800 ss:$0x1] =	vst.idx.msk $0xffff, v10;
	s2 =	sor.u32 s9, s10;
	s10 =	sshll.u32 s23, $0x1;
	s7 =	sadd.s32 $0x18800, s7  }
0x44: {  	s14 =	sand.u32 $0x70, s23;
	v8 =	vpsel !p3, $0x0, v8;
	s23 =	sshll.u32 s13, $0x1;
	s9 =	sand.u32 $0x7FFFFF00, s10;
	[tilespmem:s7+$0x10] =	vst v9  }
0x45: {  	v7 =	vpsel !p3, $0x0, v7;
	s13 =	sand.u32 $0x60, s13;
	s9 =	sor.u32 s14, s9;
	s14 =	sand.u32 $0x7FFFFF00, s23;
	[tilespmem:v3+s2+$0x18800 ss:$0x1] =	vst.idx.msk $0xffff, v8  }
0x46: {  	v6 =	vpsel !p3, $0x0, v6;
	s23 =	sor.u32 s13, s14;
	[tilespmem:v3+s9+$0x18800 ss:$0x1] =	vst.idx.msk $0xffff, v7  }
0x47: {  	v5 =	vpsel !p3, $0x0, v5;
	[tilespmem:v3+s23+$0x18800 ss:$0x1] =	vst.idx.msk $0xffff, v6  }
.LBB2_13:
0x48: {  	s31 =	sadd.s32 $0x1, s31  }
0x49: {  	p3 =	sne.s32 s31, $0x7  }
.Ltmp7:
0x4a: {  	s0 =	sadd.s32 $0x50, s0;
	(pc) =	sbr.rel @!p3 .LBB2_14-.Ltmp7, $4  }
0x4b: {  	s2 =	sshll.u32 s0, $0x1  }
0x4c: {  	s0 =	sand.u32 $0x70, s0;
	s2 =	sand.u32 $0x7FFFFF00, s2  }
0x4d: {  	s0 =	sor.u32 s0, s2  }
0x4e: {  	v4 =	vperm.xlane v4, v0;
	[tilespmem:v3+s0+$0x18800 ss:$0x1] =	vst.idx.msk $0xffff, v5  }
.LBB2_4:
0x4f: {  	_ = 	snop  }
0x50: {  	(v2sf) =	vpush v4, $0x0  }
0x51: {  	(v2sf) =	vpush v4, $0x7;
	_ =	sdelay $0xd  }
0x52: {  	s11 =	spop (v2sf)  }
0x53: {  	s13 =	spop (v2sf)  }
0x54: {  	s0 =	ssub.s32 s11, s13  }
0x55: {  	s0 =	sand.u32 s26, s0  }
0x56: {  	p3 =	sgt.u32 s0, $0xFFFFFFFD  }
.Ltmp8:
0x57: {  	_ = 	snop;
	(pc) =	sbr.rel @p3 .LBB2_26-.Ltmp8, $3  }
0x58: {  	_ = 	snop  }
0x59: {  	s2 =	sadd.s32 s25, s31  }
0x5a: {  	s0 =	smul.u32 $0x60, s2;
	_ =	sdelay $0x1  }
.Ltmp9:
0x5b: {  	(pc) =	sbr.rel @p1 .LBB2_12-.Ltmp9, $3  }
0x5c: {  	_ =	sdelay $0x1  }
0x5d: {  	v10 =	vimm.f32 $-Inf;
	v9 =	vimm.f32 $-Inf;
	v8 =	vimm.f32 $-Inf  }
0x5e: {  	v7 =	vimm.f32 $-Inf;
	v6 =	vimm.f32 $-Inf;
	v5 =	vimm.f32 $-Inf  }
.Ltmp10:
0x5f: {  	(pc) =	sbr.rel .LBB2_7-.Ltmp10, $3  }
0x60: {  	s7 =	smul.u32 $0x180, s11;
	_ =	sdelay $0x1  }
0x61: {  	v5 =	vimm.f32 $-Inf;
	v6 =	vimm.f32 $-Inf;
	v7 =	vimm.f32 $-Inf;
	s14 =	ssub.s32 s13, s11;
	s7 =	sshra.s32 s7, $0x2  }
0x62: {  	p3 =	sge.s32 s11, s13;
	v8 =	vimm.f32 $-Inf;
	v9 =	vimm.f32 $-Inf;
	v10 =	vimm.f32 $-Inf;
	s23 =	smov.u32 s6;
	s10 =	sadd.s32 s7, s30  }
.LBB2_10:
0x63: {  	v9 =	vmax.f32 v9, v11;
	v8 =	vmax.f32 v8, v12  }
0x64: {  	v7 =	vmax.f32 v7, v13;
	v6 =	vmax.f32 v6, v14;
	v10 =	vmax.f32 v10, v15  }
.LBB2_11:
0x65: {  	s23 =	sadd.s32 $0x1, s23  }
0x66: {  	p4 =	sne.s32 s23, s24  }
.Ltmp11:
0x67: {  	_ = 	snop;
	(pc) =	sbr.rel @!p4 .LBB2_12-.Ltmp11, $2  }
0x68: {  	_ =	sdelay $0x2  }
0x69: {  	s10 =	sadd.s32 $0xC00, s10  }
.LBB2_7:
.Ltmp12:
0x6a: {  	(pc) =	sbr.rel @p3 .LBB2_11-.Ltmp12, $1  }
0x6b: {  	_ =	sdelay $0x3  }
0x6c: {  	v16 =	vld [tilespmem:s10+$0x20]  }
0x6d: {  	v11 =	vld [tilespmem:s10+$0xFFFFFFE0]  }
0x6e: {  	v12 =	vld [tilespmem:s10+$0xFFFFFFF0]  }
0x6f: {  	v13 =	vld [tilespmem:s10+$0x0];
	p4 =	sne.s32 s14, $0x1  }
.Ltmp13:
0x70: {  	v14 =	vld [tilespmem:s10+$0x10];
	(pc) =	sbr.rel @!p4 .LBB2_10-.Ltmp13, $2  }
0x71: {  	v15 =	vld [tilespmem:s10+$0xFFFFFFD0];
	_ =	sdelay $0x2  }
0x72: {  	s7 =	sadd.s32 $0xFFFFFFFF, s14;
	s9 =	sadd.s32 $0x60, s10;
	v5 =	vmax.f32 v5, v16  }
.LBB2_9:
0x73: {  	v16 =	vld [tilespmem:s9+$0x20];
	p4 =	sne.s32 s7, $0x1;
	s7 =	sadd.s32 $0xFFFFFFFF, s7;
	v9 =	vmax.f32 v9, v11  }
.Ltmp14:
0x74: {  	v8 =	vmax.f32 v8, v12;
	v11 =	vld [tilespmem:s9+$0xFFFFFFE0];
	(pc) =	sbr.rel @p4 .LBB2_9-.Ltmp14, $4  }
0x75: {  	v7 =	vmax.f32 v7, v13;
	v12 =	vld [tilespmem:s9+$0xFFFFFFF0]  }
0x76: {  	v6 =	vmax.f32 v6, v14;
	v13 =	vld [tilespmem:s9+$0x0]  }
0x77: {  	v10 =	vmax.f32 v10, v15;
	v14 =	vld [tilespmem:s9+$0x10]  }
0x78: {  	v15 =	vld [tilespmem:s9+$0xFFFFFFD0];
	v5 =	vmax.f32 v5, v16;
	s9 =	sadd.s32 $0x60, s9  }
.Ltmp15:
0x79: {  	_ = 	snop;
	(pc) =	sbr.rel .LBB2_10-.Ltmp15, $1  }
0x7a: {  	_ =	sdelay $0x3  }
.LBB2_26:
0x7b: {  	s9 =	sadd.s32 s28, s11  }
0x7c: {  	s7 =	sadd.s32 $0xFFFFFFFF, s13;
	s23 =	sadd.s32 s29, s11;
	s9 =	smul.u32 $0x180, s9  }
0x7d: {  	s10 =	sadd.s32 s28, s7;
	s14 =	smul.u32 $0x180, s23  }
0x7e: {  	s7 =	sadd.s32 s29, s7;
	s10 =	smul.u32 $0x180, s10;
	s11 =	sshra.s32 s9, $0x2  }
0x7f: {  	s7 =	smul.u32 $0x180, s7;
	s14 =	sshra.s32 s14, $0x2;
	v5 =	vld [tilespmem:s11+$0x0]  }
0x80: {  	s13 =	sshra.s32 s10, $0x2;
	v7 =	vld [tilespmem:s14+$0x0]  }
0x81: {  	s7 =	sshra.s32 s7, $0x2;
	v6 =	vld [tilespmem:s13+$0x0]  }
0x82: {  	v8 =	vld [tilespmem:s7+$0x0];
	_ =	sdelay $0x2  }
0x83: {  	s2 =	smul.u32 $0xC0, s2;
	_ =	sdelay $0x1  }
0x84: {  	s23 =	sand.u32 $0x60, s0;
	s2 =	sand.u32 $0x7F00, s2;
	v5 =	vmax.f32 v5, v6;
	v6 =	vmax.f32 v7, v8  }
0x85: {  	s2 =	sor.u32 s23, s2;
	v5 =	vmax.f32 v5, v6  }
0x86: {  	[tilespmem:v3+s2+$0x18800 ss:$0x1] =	vst.idx.msk $0xffff, v5  }
0x87: {  	v5 =	vld [tilespmem:s11+$0x10]  }
0x88: {  	v6 =	vld [tilespmem:s13+$0x10]  }
0x89: {  	v7 =	vld [tilespmem:s14+$0x10]  }
0x8a: {  	v59 =	vld [tilespmem:s7+$0x10];
	_ =	sdelay $0x4  }
0x8b: {  	s2 =	sadd.s32 s21, s2;
	v5 =	vmax.f32 v5, v6;
	v6 =	vmax.f32 v7, v59  }
0x8c: {  	s2 =	sadd.s32 $0x18800, s2;
	v5 =	vmax.f32 v5, v6  }
0x8d: {  	[tilespmem:s2+$0x10] =	vst v5  }
0x8e: {  	v5 =	vld [tilespmem:s11+$0x20]  }
0x8f: {  	v6 =	vld [tilespmem:s13+$0x20]  }
0x90: {  	v7 =	vld [tilespmem:s14+$0x20]  }
0x91: {  	v60 =	vld [tilespmem:s7+$0x20];
	_ =	sdelay $0x2  }
0x92: {  	s10 =	sadd.s32 $0x20, s0  }
0x93: {  	s23 =	sshll.u32 s10, $0x1  }
0x94: {  	s9 =	sand.u32 $0x7FFFFF00, s23;
	s2 =	sand.u32 $0x60, s10;
	v5 =	vmax.f32 v5, v6;
	v6 =	vmax.f32 v7, v60  }
0x95: {  	s2 =	sor.u32 s2, s9;
	v5 =	vmax.f32 v5, v6  }
0x96: {  	[tilespmem:v3+s2+$0x18800 ss:$0x1] =	vst.idx.msk $0xffff, v5  }
0x97: {  	v5 =	vld [tilespmem:s11+$0x30]  }
0x98: {  	v6 =	vld [tilespmem:s13+$0x30]  }
0x99: {  	v7 =	vld [tilespmem:s14+$0x30]  }
0x9a: {  	v61 =	vld [tilespmem:s7+$0x30];
	_ =	sdelay $0x2  }
0x9b: {  	s10 =	sadd.s32 $0x30, s0  }
0x9c: {  	s23 =	sshll.u32 s10, $0x1  }
0x9d: {  	s9 =	sand.u32 $0x7FFFFF00, s23;
	s2 =	sand.u32 $0x70, s10;
	v5 =	vmax.f32 v5, v6;
	v6 =	vmax.f32 v7, v61  }
0x9e: {  	s2 =	sor.u32 s2, s9;
	v5 =	vmax.f32 v5, v6  }
0x9f: {  	[tilespmem:v3+s2+$0x18800 ss:$0x1] =	vst.idx.msk $0xffff, v5  }
0xa0: {  	v5 =	vld [tilespmem:s11+$0x40]  }
0xa1: {  	v6 =	vld [tilespmem:s13+$0x40]  }
0xa2: {  	v7 =	vld [tilespmem:s14+$0x40]  }
0xa3: {  	v62 =	vld [tilespmem:s7+$0x40];
	_ =	sdelay $0x2  }
0xa4: {  	s10 =	sadd.s32 $0x40, s0  }
0xa5: {  	s23 =	sshll.u32 s10, $0x1  }
0xa6: {  	s9 =	sand.u32 $0x7FFFFF00, s23;
	s2 =	sand.u32 $0x60, s10;
	v5 =	vmax.f32 v5, v6;
	v6 =	vmax.f32 v7, v62  }
0xa7: {  	s2 =	sor.u32 s2, s9;
	v5 =	vmax.f32 v5, v6  }
0xa8: {  	[tilespmem:v3+s2+$0x18800 ss:$0x1] =	vst.idx.msk $0xffff, v5  }
0xa9: {  	v5 =	vld [tilespmem:s11+$0x50]  }
0xaa: {  	v6 =	vld [tilespmem:s13+$0x50]  }
0xab: {  	v7 =	vld [tilespmem:s14+$0x50]  }
0xac: {  	v63 =	vld [tilespmem:s7+$0x50];
	_ =	sdelay $0x1  }
.Ltmp16:
0xad: {  	_ = 	snop;
	(pc) =	sbr.rel .LBB2_13-.Ltmp16, $3  }
0xae: {  	_ =	sdelay $0x1  }
0xaf: {  	v5 =	vmax.f32 v5, v6;
	v6 =	vmax.f32 v7, v63  }
0xb0: {  	v5 =	vmax.f32 v5, v6  }
.LBB2_15:
0xb1: {  	p1 =	sne.s32 s19, $0x0  }
.Ltmp17:
0xb2: {  	_ = 	snop;
	(pc) =	sbr.rel @p1 .LBB2_19-.Ltmp17, $3  }
0xb3: {  	_ = 	snop  }
0xb4: {  	s0 =	smul.u32 $0x2500, s20;
	_ =	sdelay $0x1  }
0xb5: {  	s0 =	sor.u32 s5, s0  }
0xb6: {  	s2 =	sshrl.u32 s0, $0x3  }
0xb7: {  	s6 =	simm.s32 $0x18800;
	s2 =	sadd.s32 s1, s2  }
0xb8: {  	s7 =	simm.s32 $0x20;
	s9 =	simm.s32 $0x18900;
	s10 =	sadd.s32 $0x0, s2  }
.LBB2_17:
0xb9: {  	[hbm4b:s10+s3] =	stream.linear.scatter [tilespmem:s6], [sflag:$0x1], $0x80, $0x38;
	[tilespmem:$0x1AD00] =	vst v63  }
0xba: {  	s10 =	smov.u32 s7;
	s6 =	smov.u32 s9;
	p1 =	sne.s32 s7, $0x480  }
.Ltmp18:
0xbb: {  	s7 =	sadd.s32 $0x20, s7;
	(pc) =	sbr.rel @p1 .LBB2_17-.Ltmp18, $2  }
0xbc: {  	_ =	sdelay $0x2  }
0xbd: {  	s9 =	sadd.s32 $0x100, s9;
	s10 =	sadd.s32 s10, s2  }
0xbe: {  	[hbm4b:s10+s3] =	stream.linear.scatter [tilespmem:s6], [sflag:$0x1], $0x80, $0x38;
	[tilespmem:$0x1AD00] =	vst v63  }
.LBB2_19:
.Ltmp19:
0xbf: {  	(pc) =	sbr.rel @!p0 .LBB2_23-.Ltmp19, $1  }
0xc0: {  	_ =	sdelay $0x3  }
0xc1: {  	s0 =	sshrl.u32 s0, $0x3  }
0xc2: {  	s2 =	simm.s32 $0x18880;
	s0 =	sadd.s32 s1, s0  }
0xc3: {  	s6 =	simm.s32 $0x20;
	s7 =	simm.s32 $0x18980;
	s9 =	sadd.s32 $0x0, s0  }
.LBB2_21:
0xc4: {  	[hbm4b:s9+s3] =	stream.linear.scatter [tilespmem:s2], [sflag:$0x2], $0x80, $0x38;
	[tilespmem:$0x1AD00] =	vst v63  }
0xc5: {  	s9 =	smov.u32 s6;
	s2 =	smov.u32 s7;
	p0 =	sne.s32 s6, $0x480  }
.Ltmp20:
0xc6: {  	s6 =	sadd.s32 $0x20, s6;
	(pc) =	sbr.rel @p0 .LBB2_21-.Ltmp20, $2  }
0xc7: {  	_ =	sdelay $0x2  }
0xc8: {  	s7 =	sadd.s32 $0x100, s7;
	s9 =	sadd.s32 s9, s0  }
.Ltmp21:
0xc9: {  	(pc) =	sbr.rel .LBB2_23-.Ltmp21, $2  }
0xca: {  	_ =	sdelay $0x2  }
0xcb: {  	[hbm4b:s9+s3] =	stream.linear.scatter [tilespmem:s2], [sflag:$0x2], $0x80, $0x38;
	[tilespmem:$0x1AD00] =	vst v63  }
.LBB2_25:
0xcc: {  	_ =	sfence.sel $0x180000  }
0xcd: {  	[bflag:$0x0] =	sbarrier.arrive $0xFFFF  }
0xce: {  	_ =	strace $0x90000047  }
0xcf: {  	s0 =	stileid.u32;
	[bflag:$0x2] =	sbarrier.arrive $0xFFFF  }
0xd0: {  	p0 =	sne.s32 s0, $0x0;
	s0 =	rddreg [dreg:$0x2]  }
0xd1: {  	s0 =	sadd.s32 @!p0 $0x100000, s0  }
0xd2: {  	[sflag:s0] =	ssyncadd.tile.s32 @!p0 $0x1;
	_ =	shalt  }
.Lfunc_end2:
_tile_overlayer_lowered:
.L_overlay_start_2:
0xd3: {  	(tag) =	ssettag $0x2  }
0xd4: {  	s0 =	rddreg [dreg:$0x0];
	s2 =	stileid.u32  }
0xd5: {  	s1 =	rddreg [dreg:$0x1];
	p0 =	sne.s32 s2, $0x0  }
0xd6: {  	s3 =	rddreg [dreg:$0x2];
	[bflag:$0x3] =	sbarrier.arrive $0xFFFF;
	s2 =	simm.s32 @!p0 $0x1C03  }
0xd7: {  	[timem:s3], [sflag:s2] =	dma.local @!p0 [hbm:s0], s1  }
0xd8: {  	s0 =	simm.s32 @!p0 $0x3  }
0xd9: {  	_ =	swait.ge @!p0 [sflag:s0], s1  }
0xda: {  	s1 =	ssub.s32 @!p0 $0x0, s1;
	[sflag:s0] =	ssyncset.done @!p0 $0x0  }
0xdb: {  	[sflag:s0] =	ssyncadd.s32 @!p0 s1  }
0xdc: {  	[bflag:$0x3] =	sbarrier.arrive $0xFFFF  }
0xdd: {  	_ =	shalt  }

// kernel: sparse-core-data-format-call.cloned.1.call-start
scs
called_computation_lowered:
.L_overlay_start_0:
0x0: {  	s2 =	sld [smem:$0x3FD9]  }
0x1: {  	s3 =	sld [smem:$0x3FFE];
	_ =	sdelay $0x1  }
0x2: {  	s1 =	srdreg.scid  }
0x3: {  	s0 =	sand.u32 $0x1, s1  }
0x4: {  	s18 =	sshll.u32 s0, $0xA;
	s2 =	sadd.s32 s3, s2  }
0x5: {  	s2 =	sadd.s32 s2, s18  }
0x6: {  	[smem:$0x3FC5] =	sst s2  }
0x7: {  	_ = 	snop  }
0x8: {  	s2 =	sld [smem:$0x3FD0];
	(tm) =	ssettm $0x1  }
0x9: {  	s19 =	sld [smem:$0x3FFB];
	_ =	sdelay $0x3  }
0xa: {  	_ =	strace s19  }
0xb: {  	s3 =	sld [smem:$0x3FFC];
	_ =	sdelay $0x3  }
0xc: {  	_ =	strace s3  }
0xd: {  	s3 =	sld [smem:$0x3FFD];
	_ =	sdelay $0x3  }
0xe: {  	_ =	strace s3  }
0xf: {  	_ =	strace $0x8FFFFFFF  }
0x10: {  	s20 =	sld [smem:$0x3FDB];
	_ =	sdelay $0x1  }
0x11: {  	s4 =	simm.s32 $_scs_section_size  }
0x12: {  	s5 =	simm.s32 $_size__tile_overlayer_lowered;
	s6 =	simm.s32 $_tile_overlayer_lowered  }
0x13: {  	s23 =	simm.s32 $0x1BFF;
	s22 =	sshll.u32 s6, $0x1;
	s3 =	sadd.s32 s4, s20  }
0x14: {  	s7 =	simm.s32 $0x0;
	s21 =	sshll.u32 s5, $0x1;
	s5 =	sadd.s32 s22, s3  }
0x15: {  	[timem:s7], [sflag:s23] =	dma.local [hbm:s5], s21  }
0x16: {  	_ =	swait.ge [sflag:s23], s21  }
0x17: {  	s4 =	ssub.s32 $0x0, s21;
	[sflag:s23] =	ssyncset.done $0x0  }
0x18: {  	[sflag:s23] =	ssyncadd.s32 s4;
	_ =	sdelay $0x1  }
0x19: {  	s24 =	simm.s32 $0x1B8B  }
0x1a: {  	_ =	swait.ge [sflag:s24], $0x1  }
0x1b: {  	[sflag:s24] =	ssyncset.done $0x0  }
0x1c: {  	s26 =	simm.s32 $0x1B8E;
	s25 =	sld [smem:$0x3FFE];
	[sflag:s24] =	ssyncadd.s32 $0xFFFFFFFF  }
0x1d: {  	s27 =	simm.s32 $execute0_lowered;
	[smem:$0x3FD2] =	sst s26  }
0x1e: {  	s5 =	sshll.u32 s27, $0x1;
	_ =	strace $0x80000049;
	[dreg:$0x1] =	wrdreg $0xFFFFFFFF  }
0x1f: {  	s28 =	simm.s32 $_size_execute0_lowered;
	s3 =	sadd.s32 s3, s5;
	[dreg:$0x0] =	wrdreg $0x0  }
0x20: {  	s5 =	sshll.u32 s28, $0x1;
	[dreg:$0x2] =	wrdreg s3  }
0x21: {  	[dreg:$0x3] =	wrdreg s5  }
0x22: {  	[dreg:$0x4] =	wrdreg $0xC0  }
0x23: {  	_ =	task [dreg:s7], $0x5FFFF  }
0x24: {  	[dreg:$0x1] =	wrdreg $0xFFFFFFFF  }
0x25: {  	[dreg:$0x0] =	wrdreg $0x60  }
0x26: {  	[dreg:$0x2] =	wrdreg s25  }
0x27: {  	[dreg:$0x3] =	wrdreg s2  }
0x28: {  	[dreg:$0x4] =	wrdreg $0x9  }
0x29: {  	_ =	task.clear_ibuf [dreg:s7], $0x5FFFF;
	_ =	strace $0x90000049  }
0x2a: {  	s29 =	simm.s32 $0x9;
	_ =	strace $0x8000004B  }
0x2b: {  	_ =	swait.ge [sflag:s29], $0x1  }
0x2c: {  	[sflag:s29] =	ssyncadd.s32 $0xFFFFFFFF  }
0x2d: {  	_ =	strace $0x9000004B  }
0x2e: {  	_ =	sfence  }
0x2f: {  	s30 =	sld [smem:$0x0];
	_ =	sdelay $0x2  }
0x30: {  	s31 =	sshll.u32 s1, $0xD;
	s1 =	sshrl.u32 s1, $0x2  }
0x31: {  	s3 =	sand.u32 $0x4000, s31;
	s1 =	sadd.s32 s1, s30  }
0x32: {  	s0 =	sor.u32 s3, s0;
	s1 =	sshll.u32 s1, $0x11  }
0x33: {  	s0 =	sor.u32 s1, s0  }
0x34: {  	s0 =	sadd.s32 $0x8F2B, s0  }
0x35: {  	[sflag:s0] =	ssyncadd.remote.s32 $0x1  }
0x36: {  	_ =	sfence.sel $0xFFFF  }
0x37: {  	[dreg:$0x0] =	wrdreg $0xFFFFFFFF;
	(pc) =	sbr.abs _section_cstart, $3  }
0x38: {  	[dreg:$0x1] =	wrdreg $0xFFFFFFFF  }
0x39: {  	_ =	task.clear_ibuf [dreg:s7], $0x2FFFF;
	_ =	strace $0x9FFFFFFF  }
0x3a: {  	(tm) =	ssettm $0x7FFFFFFF  }
0x3b: {  	_ =	shalt  }
tec
execute0_lowered:
.L_overlay_start_1:
0x0: {  	(tag) =	ssettag $0x1  }
0x1: {  	s0 =	srdreg.scid  }
0x2: {  	s1 =	sshll.u32 s0, $0x4  }
0x3: {  	s28 =	stileid.u32;
	s1 =	sand.u32 $0x10, s1  }
0x4: {  	s7 =	rddreg [dreg:$0x0];
	s8 =	sand.u32 $0x1, s28;
	s2 =	sor.u32 s28, s1  }
0x5: {  	_ =	strace $0x8000004A;
	s29 =	ssub.s32 $0x2, s8;
	s9 =	sshrl.u32 s2, $0x1  }
0x6: {  	s4 =	sshrl.u32 s29, $0x1;
	s2 =	sand.u32 $0x1, s29;
	s5 =	ssub.s32 $0x40, s9  }
0x7: {  	s30 =	simm.s32 $0x1;
	s2 =	sadd.s32 s2, s4;
	s5 =	sshrl.u32 s5, $0x4  }
0x8: {  	s31 =	simm.s32 $0x2;
	s14 =	simm.s32 $0x0;
	s2 =	smul.u32 s5, s2  }
.Ltmp0:
0x9: {  	s15 =	simm.s32 $0x0;
	s16 =	simm.s32 $0x0;
	(pc) =	sbr.rel .LBB1_1-.Ltmp0, $4  }
0xa: {  	s10 =	simm.s32 $0x0;
	s13 =	simm.s32 $0x0;
	s6 =	smul.u32 $0x6, s2  }
0xb: {  	[sflag:s30] =	ssyncpa.u1 $0x0;
	[dreg:$0x3] =	wrdreg s9;
	s5 =	sadd.s32 $0x1000, s7  }
0xc: {  	[sflag:s31] =	ssyncpa.u1 $0x0;
	[dreg:$0x4] =	wrdreg s5;
	s7 =	sor.u32 $0x1, s6  }
0xd: {  	s12 =	smov.u32 s8;
	s11 =	smov.u32 s9;
	[dreg:$0x5] =	wrdreg s7  }
.LBB1_7:
0xe: {  	s0 =	sadd.s32 $0x10, s10  }
0xf: {  	s1 =	sadd.s32 $0x10, s11;
	s2 =	smov.u32 s11;
	p1 =	sgt.s32 s0, $0x5F  }
0x10: {  	s2 =	smov.u32 @p1 s1  }
0x11: {  	s3 =	sadd.s32 $0x2, s12;
	s4 =	smov.u32 s12;
	p2 =	sgt.s32 s2, $0x30  }
0x12: {  	s4 =	smov.u32 @p2 s3  }
0x13: {  	s0 =	simm.s32 @p1 $0x0;
	p1 =	sgt.s32 s4, $0x1  }
0x14: {  	p0 =	slt.u32 s13, $0x2;
	s4 =	smov.u32 @p1 s8;
	p1 =	sne.s32 s13, s7  }
.Ltmp1:
0x15: {  	s1 =	simm.s32 @!p0 $0x2;
	(pc) =	sbr.rel @!p1 .LBB1_8-.Ltmp1, $4  }
0x16: {  	s14 =	smov.u32 s10;
	_ =	swait.ge @!p0 [sflag:s1], $0x4000  }
0x17: {  	s15 =	smov.u32 s11;
	s16 =	smov.u32 s12;
	[sflag:s1] =	ssyncset.done @!p0 $0x0  }
0x18: {  	s10 =	smov.u32 s0;
	s2 =	smov.u32 @p2 s9;
	[sflag:s1] =	ssyncadd.s32 @!p0 $0xFFFFC000  }
0x19: {  	s11 =	smov.u32 s2;
	s13 =	sadd.s32 $0x1, s13;
	s12 =	smov.u32 s4  }
.LBB1_1:
0x1a: {  	p0 =	sge.u32 s13, s6  }
0x1b: {  	s2 =	sand.u32 @!p0 $0x3FFFF8, s10  }
0x1c: {  	s17 =	smulhi.u32 @!p0 $0x2AAAAAB, s2  }
0x1d: {  	s18 =	smul.u32 @!p0 $0x93000, s12  }
0x1e: {  	s17 =	smul.u32 @!p0 $0x60, s17  }
0x1f: {  	s31 =	sadd.s32 $0xFFFFFFFF, s13;
	s19 =	smul.u32 @!p0 $0x3000, s11  }
0x20: {  	s18 =	sadd.s32 @!p0 s5, s18;
	s2 =	ssub.s32 @!p0 s2, s17;
	s17 =	sshll.u32 @!p0 s10, $0x4  }
0x21: {  	s20 =	sxor.u32 @!p0 $0xFFFFFFFF, s13;
	s18 =	sadd.s32 @!p0 s19, s18;
	s17 =	sand.u32 @!p0 $0x70, s17  }
0x22: {  	s19 =	sshll.u32 @!p0 s20, $0xE;
	s2 =	sshll.u32 @!p0 s2, $0x7;
	s17 =	sadd.s32 @!p0 s17, s18  }
0x23: {  	s18 =	sand.u32 @!p0 $0x4000, s19;
	s2 =	sadd.s32 @!p0 s2, s17;
	s17 =	simm.s32 @!p0 $0x0  }
0x24: {  	[tilespmem:s18], [sflag:$0x1] =	stream.linear.gather @!p0 [hbm4b:s2+s17], $0x4000, $0x38;
	[tilespmem:$0x10000] =	vst v63  }
0x25: {  	p0 =	sge.u32 s31, s6  }
.Ltmp2:
0x26: {  	_ = 	snop;
	(pc) =	sbr.rel @p0 .LBB1_7-.Ltmp2, $1  }
0x27: {  	_ =	sdelay $0x3  }
0x28: {  	s2 =	sshll.u32 s13, $0xE  }
0x29: {  	s2 =	sand.u32 $0x4000, s2  }
0x2a: {  	s0 =	simm.s32 $0x1;
	v0 =	vmov s2  }
0x2b: {  	_ =	swait.ge [sflag:s0], $0x4000  }
0x2c: {  	[sflag:s0] =	ssyncset.done $0x0;
	s17 =	sor.u32 $0x8000, s2  }
0x2d: {  	s18 =	simm.s32 $0x0;
	[sflag:s0] =	ssyncadd.s32 $0xFFFFC000;
	v1 =	vmov s17  }
.LBB1_3:
0x2e: {  	s2 =	sshll.u32 s18, $0xA;
	s28 =	sshll.u32 s18, $0x7  }
0x2f: {  	s2 =	sand.u32 $0x2000, s2;
	s19 =	sand.u32 $0x380, s28  }
0x30: {  	p0 =	por $0x1, $0x1;
	s19 =	sor.u32 s19, s2  }
0x31: {  	s31 =	simm.s32 $0x0;
	s28 =	sor.u32 s28, s2;
	s20 =	sor.u32 $0x10, s19  }
0x32: {  	s21 =	sor.u32 $0x20, s19;
	s22 =	sor.u32 $0x30, s19;
	s23 =	sor.u32 $0x40, s19  }
0x33: {  	s24 =	sor.u32 $0x50, s19;
	s25 =	sor.u32 $0x60, s19;
	s26 =	sor.u32 $0x70, s19  }
0x34: {  	s27 =	sor.u32 $0x400, s19;
	s29 =	sor.u32 $0x800, s19;
	s30 =	sor.u32 $0xC00, s19  }
.LBB1_4:
0x35: {  	s2 =	sor.u32 s20, s31  }
0x36: {  	s0 =	sor.u32 s21, s31;
	v2 =	vld.idx.msk [tilespmem:v0+s2+$0x0 ss:$0x1], $0xffff  }
0x37: {  	s4 =	sor.u32 s22, s31;
	v3 =	vld.idx.msk [tilespmem:v0+s0+$0x0 ss:$0x1], $0xffff  }
0x38: {  	s9 =	sor.u32 s23, s31;
	v4 =	vld.idx.msk [tilespmem:v0+s4+$0x0 ss:$0x1], $0xffff  }
0x39: {  	s5 =	sor.u32 s24, s31;
	v5 =	vld.idx.msk [tilespmem:v0+s9+$0x0 ss:$0x1], $0xffff  }
0x3a: {  	s7 =	sor.u32 s25, s31;
	v6 =	vld.idx.msk [tilespmem:v0+s5+$0x0 ss:$0x1], $0xffff  }
0x3b: {  	s1 =	sor.u32 s26, s31;
	[tilespmem:v1+s2+$0x0 ss:$0x1] =	vst.idx.msk $0xffff, v2;
	v2 =	vld.idx.msk [tilespmem:v0+s7+$0x0 ss:$0x1], $0xffff  }
0x3c: {  	[tilespmem:v1+s0+$0x0 ss:$0x1] =	vst.idx.msk $0xffff, v3;
	v3 =	vld.idx.msk [tilespmem:v0+s1+$0x0 ss:$0x1], $0xffff;
	s0 =	sor.u32 s27, s31;
	s2 =	sor.u32 s28, s31  }
0x3d: {  	[tilespmem:v1+s4+$0x0 ss:$0x1] =	vst.idx.msk $0xffff, v4;
	v49 =	vld.idx.msk [tilespmem:v0+s0+$0x0 ss:$0x1], $0xffff;
	s3 =	sor.u32 $0x410, s2  }
0x3e: {  	[tilespmem:v1+s9+$0x0 ss:$0x1] =	vst.idx.msk $0xffff, v5;
	s9 =	sor.u32 $0x420, s2;
	v50 =	vld.idx.msk [tilespmem:v0+s3+$0x0 ss:$0x1], $0xffff  }
0x3f: {  	[tilespmem:v1+s5+$0x0 ss:$0x1] =	vst.idx.msk $0xffff, v6;
	s5 =	sor.u32 $0x430, s2;
	v51 =	vld.idx.msk [tilespmem:v0+s9+$0x0 ss:$0x1], $0xffff  }
0x40: {  	[tilespmem:v1+s7+$0x0 ss:$0x1] =	vst.idx.msk $0xffff, v2;
	v2 =	vld.idx.msk [tilespmem:v0+s5+$0x0 ss:$0x1], $0xffff;
	s7 =	sor.u32 $0x440, s2  }
0x41: {  	[tilespmem:v1+s1+$0x0 ss:$0x1] =	vst.idx.msk $0xffff, v3;
	s1 =	sor.u32 $0x450, s2;
	v3 =	vld.idx.msk [tilespmem:v0+s7+$0x0 ss:$0x1], $0xffff  }
0x42: {  	[tilespmem:v1+s0+$0x0 ss:$0x1] =	vst.idx.msk $0xffff, v49;
	v52 =	vld.idx.msk [tilespmem:v0+s1+$0x0 ss:$0x1], $0xffff;
	s0 =	sor.u32 $0x460, s2  }
0x43: {  	s4 =	sor.u32 $0x470, s2;
	[tilespmem:v1+s3+$0x0 ss:$0x1] =	vst.idx.msk $0xffff, v50;
	v53 =	vld.idx.msk [tilespmem:v0+s0+$0x0 ss:$0x1], $0xffff  }
0x44: {  	v54 =	vld.idx.msk [tilespmem:v0+s4+$0x0 ss:$0x1], $0xffff;
	s3 =	sor.u32 s19, s31;
	[tilespmem:v1+s9+$0x0 ss:$0x1] =	vst.idx.msk $0xffff, v51;
	s9 =	sor.u32 s29, s31  }
0x45: {  	[tilespmem:v1+s5+$0x0 ss:$0x1] =	vst.idx.msk $0xffff, v2;
	v2 =	vld.idx.msk [tilespmem:v0+s9+$0x0 ss:$0x1], $0xffff;
	s5 =	sor.u32 $0x810, s3  }
0x46: {  	[tilespmem:v1+s7+$0x0 ss:$0x1] =	vst.idx.msk $0xffff, v3;
	v3 =	vld.idx.msk [tilespmem:v0+s5+$0x0 ss:$0x1], $0xffff  }
0x47: {  	v55 =	vld.idx.msk [tilespmem:v0+s3+$0x0 ss:$0x1], $0xffff;
	[tilespmem:v1+s1+$0x0 ss:$0x1] =	vst.idx.msk $0xffff, v52;
	s1 =	sor.u32 $0x820, s3  }
0x48: {  	[tilespmem:v1+s0+$0x0 ss:$0x1] =	vst.idx.msk $0xffff, v53;
	v56 =	vld.idx.msk [tilespmem:v0+s1+$0x0 ss:$0x1], $0xffff;
	s0 =	sor.u32 $0x830, s3  }
0x49: {  	[tilespmem:v1+s4+$0x0 ss:$0x1] =	vst.idx.msk $0xffff, v54;
	s4 =	sor.u32 $0x840, s3;
	v57 =	vld.idx.msk [tilespmem:v0+s0+$0x0 ss:$0x1], $0xffff  }
0x4a: {  	s7 =	sor.u32 $0x850, s3;
	[tilespmem:v1+s9+$0x0 ss:$0x1] =	vst.idx.msk $0xffff, v2;
	v2 =	vld.idx.msk [tilespmem:v0+s4+$0x0 ss:$0x1], $0xffff  }
0x4b: {  	[tilespmem:v1+s5+$0x0 ss:$0x1] =	vst.idx.msk $0xffff, v3;
	v3 =	vld.idx.msk [tilespmem:v0+s7+$0x0 ss:$0x1], $0xffff;
	s5 =	sor.u32 $0x860, s3  }
0x4c: {  	[tilespmem:v1+s3+$0x0 ss:$0x1] =	vst.idx.msk $0xffff, v55;
	s3 =	sor.u32 $0x870, s3;
	v58 =	vld.idx.msk [tilespmem:v0+s5+$0x0 ss:$0x1], $0xffff  }
0x4d: {  	[tilespmem:v1+s1+$0x0 ss:$0x1] =	vst.idx.msk $0xffff, v56;
	v59 =	vld.idx.msk [tilespmem:v0+s3+$0x0 ss:$0x1], $0xffff;
	s1 =	sor.u32 s30, s31  }
0x4e: {  	s9 =	sor.u32 $0xC10, s2;
	[tilespmem:v1+s0+$0x0 ss:$0x1] =	vst.idx.msk $0xffff, v57;
	v60 =	vld.idx.msk [tilespmem:v0+s1+$0x0 ss:$0x1], $0xffff  }
0x4f: {  	[tilespmem:v1+s4+$0x0 ss:$0x1] =	vst.idx.msk $0xffff, v2;
	v2 =	vld.idx.msk [tilespmem:v0+s9+$0x0 ss:$0x1], $0xffff;
	s4 =	sor.u32 $0xC20, s2  }
0x50: {  	[tilespmem:v1+s7+$0x0 ss:$0x1] =	vst.idx.msk $0xffff, v3;
	v3 =	vld.idx.msk [tilespmem:v0+s4+$0x0 ss:$0x1], $0xffff;
	s7 =	sor.u32 $0xC30, s2  }
0x51: {  	[tilespmem:v1+s5+$0x0 ss:$0x1] =	vst.idx.msk $0xffff, v58;
	v61 =	vld.idx.msk [tilespmem:v0+s7+$0x0 ss:$0x1], $0xffff;
	s5 =	sor.u32 $0xC40, s2  }
0x52: {  	[tilespmem:v1+s3+$0x0 ss:$0x1] =	vst.idx.msk $0xffff, v59;
	s3 =	sor.u32 $0xC50, s2;
	v62 =	vld.idx.msk [tilespmem:v0+s5+$0x0 ss:$0x1], $0xffff  }
0x53: {  	[tilespmem:v1+s1+$0x0 ss:$0x1] =	vst.idx.msk $0xffff, v60;
	v63 =	vld.idx.msk [tilespmem:v0+s3+$0x0 ss:$0x1], $0xffff;
	s1 =	sor.u32 $0xC60, s2  }
0x54: {  	[tilespmem:v1+s9+$0x0 ss:$0x1] =	vst.idx.msk $0xffff, v2;
	v2 =	vld.idx.msk [tilespmem:v0+s1+$0x0 ss:$0x1], $0xffff;
	s9 =	sor.u32 $0xC70, s2  }
0x55: {  	p1 =	por p0, p0;
	[tilespmem:v1+s4+$0x0 ss:$0x1] =	vst.idx.msk $0xffff, v3;
	v3 =	vld.idx.msk [tilespmem:v0+s9+$0x0 ss:$0x1], $0xffff  }
.Ltmp3:
0x56: {  	[tilespmem:v1+s7+$0x0 ss:$0x1] =	vst.idx.msk $0xffff, v61;
	(pc) =	sbr.rel @p1 .LBB1_4-.Ltmp3, $4  }
0x57: {  	[tilespmem:v1+s5+$0x0 ss:$0x1] =	vst.idx.msk $0xffff, v62  }
0x58: {  	[tilespmem:v1+s3+$0x0 ss:$0x1] =	vst.idx.msk $0xffff, v63  }
0x59: {  	[tilespmem:v1+s1+$0x0 ss:$0x1] =	vst.idx.msk $0xffff, v2  }
0x5a: {  	p0 =	por $0x0, $0x0;
	s31 =	simm.s32 $0x1000;
	[tilespmem:v1+s9+$0x0 ss:$0x1] =	vst.idx.msk $0xffff, v3  }
0x5b: {  	s18 =	sadd.s32 $0x1, s18  }
0x5c: {  	p0 =	sne.s32 s18, $0x10  }
.Ltmp4:
0x5d: {  	_ = 	snop;
	(pc) =	sbr.rel @p0 .LBB1_3-.Ltmp4, $1  }
0x5e: {  	_ =	sdelay $0x3  }
0x5f: {  	s0 =	sand.u32 $0x3FFFF8, s14;
	s2 =	smul.u32 $0x3000, s16  }
0x60: {  	s1 =	smulhi.u32 $0x2AAAAAB, s0  }
0x61: {  	s3 =	smul.u32 $0x6000, s15  }
0x62: {  	s4 =	sshll.u32 s14, $0x4;
	s5 =	rddreg [dreg:$0x1];
	s1 =	smul.u32 $0x60, s1  }
.Ltmp5:
0x63: {  	s9 =	rddreg [dreg:$0x3];
	s2 =	sadd.s32 s5, s2;
	(pc) =	sbr.rel .LBB1_7-.Ltmp5, $4  }
0x64: {  	s30 =	sand.u32 $0x70, s4;
	s2 =	sadd.s32 s3, s2;
	s0 =	ssub.s32 s0, s1  }
0x65: {  	s7 =	rddreg [dreg:$0x5];
	s1 =	sadd.s32 s30, s2;
	s0 =	sshll.u32 s0, $0x7  }
0x66: {  	s31 =	simm.s32 $0x0;
	s5 =	rddreg [dreg:$0x4];
	s0 =	sadd.s32 s0, s1  }
0x67: {  	[hbm4b:s0+s31] =	stream.linear.scatter [tilespmem:s17], [sflag:$0x2], $0x4000, $0x38;
	[tilespmem:$0x10000] =	vst v63  }
.LBB1_8:
0x68: {  	_ =	sfence.sel $0x180000  }
0x69: {  	s0 =	simm.s32 $0x1;
	[bflag:$0x0] =	sbarrier.arrive $0xFFFF  }
0x6a: {  	s30 =	simm.s32 $0x2;
	[sflag:s0] =	ssyncpa.u1 $0x1  }
0x6b: {  	[sflag:s30] =	ssyncpa.u1 $0x1  }
0x6c: {  	_ =	strace $0x9000004A  }
0x6d: {  	s31 =	stileid.u32;
	[bflag:$0x2] =	sbarrier.arrive $0xFFFF  }
0x6e: {  	p0 =	sne.s32 s31, $0x0;
	s0 =	rddreg [dreg:$0x2]  }
0x6f: {  	s0 =	sadd.s32 @!p0 $0x100000, s0  }
0x70: {  	[sflag:s0] =	ssyncadd.tile.s32 @!p0 $0x1;
	_ =	shalt  }
.Lfunc_end1:
_tile_overlayer_lowered:
.L_overlay_start_2:
0x71: {  	(tag) =	ssettag $0x2  }
0x72: {  	s0 =	rddreg [dreg:$0x0];
	s2 =	stileid.u32  }
0x73: {  	s1 =	rddreg [dreg:$0x1];
	p0 =	sne.s32 s2, $0x0  }
0x74: {  	s3 =	rddreg [dreg:$0x2];
	[bflag:$0x3] =	sbarrier.arrive $0xFFFF;
	s2 =	simm.s32 @!p0 $0x1C01  }
0x75: {  	[timem:s3], [sflag:s2] =	dma.local @!p0 [hbm:s0], s1  }
0x76: {  	s0 =	simm.s32 @!p0 $0x1  }
0x77: {  	_ =	swait.ge @!p0 [sflag:s0], s1  }
0x78: {  	s1 =	ssub.s32 @!p0 $0x0, s1;
	[sflag:s0] =	ssyncset.done @!p0 $0x0  }
0x79: {  	[sflag:s0] =	ssyncadd.s32 @!p0 s1  }
0x7a: {  	[bflag:$0x3] =	sbarrier.arrive $0xFFFF  }
0x7b: {  	_ =	shalt  }

</sc_bundles>
